<compile_context>
chip_gen: v7x
topology: tpu7x:2x2x1
jax: 0.10.2.dev20260603
libtpu: 0.0.44.dev20260713+nightly
codegen_flags: <defaults>
</compile_context>

<pallas_src>
import functools

import jax
import jax.numpy as jnp
from jax import lax
from jax.experimental import pallas as pl
from jax.experimental.pallas import tpu as pltpu
from jax.experimental.pallas import tpu_sc as plsc

_LANES = 16
_NSEM = 4


def _make_gather(batch, dim):
    info = plsc.get_sparse_core_info()
    num_workers = info.num_cores * info.num_subcores
    b_per_w = batch // num_workers
    n_bursts = b_per_w // _LANES
    mesh = plsc.VectorSubcoreMesh(core_axis_name="c", subcore_axis_name="s")

    @functools.partial(
        pl.kernel,
        mesh=mesh,
        out_type=jax.ShapeDtypeStruct((batch, dim), jnp.float32),
        scratch_types=[
            pltpu.VMEM((b_per_w,), jnp.int32),
            pltpu.VMEM((b_per_w, dim), jnp.float32),
        ]
        + [pltpu.SemaphoreType.DMA] * _NSEM,
        compiler_params=pltpu.CompilerParams(needs_layout_passes=False),
    )
    def gather_kernel(table_hbm, idx_hbm, out_hbm, idx_v, rows_v, *sems):
        wid = lax.axis_index("s") * info.num_cores + lax.axis_index("c")
        base = wid * b_per_w
        pltpu.sync_copy(idx_hbm.at[pl.ds(base, b_per_w)], idx_v)

        lane_ids = lax.iota(jnp.int32, _LANES)
        neg = jnp.full((_LANES,), jnp.iinfo(jnp.int32).min, jnp.int32)

        def burst(k):
            v = idx_v[pl.ds(k * _LANES, _LANES)]
            for l in range(_LANES):
                row = lax.reduce_max(
                    jnp.where(lane_ids == l, v, neg), axes=(0,)
                )
                pltpu.async_copy(
                    table_hbm.at[pl.ds(row, 1)],
                    rows_v.at[pl.ds(k * _LANES + l, 1)],
                    sems[l % _NSEM],
                )

        pl.loop(0, n_bursts)(burst)

        def drain(_):
            for l in range(_LANES):
                pltpu.make_async_copy(
                    table_hbm.at[pl.ds(0, 1)],
                    rows_v.at[pl.ds(0, 1)],
                    sems[l % _NSEM],
                ).wait()

        pl.loop(0, n_bursts)(drain)
        pltpu.sync_copy(rows_v, out_hbm.at[pl.ds(base, b_per_w)])

    return gather_kernel


def kernel(variable_hash, embedding_table):
    batch = variable_hash.shape[0]
    dim = embedding_table.shape[1]
    gather = _make_gather(batch, dim)
    return gather(embedding_table, variable_hash)

# --- scband reference (transcript-rebuilt; emitter-appended) ---
"""Pipeline reference for scband-variable-embedding-30468497998263 (READ-ONLY COPY).

The authoritative reference and input builder live on the scoring server;
editing this copy changes nothing except your own understanding.
"""

import jax, jax.numpy as jnp
import numpy as np

HASH_SPACE_SIZE = 1000000
EMBEDDING_DIM = 64
BATCH = 16384

def setup_inputs(seed: int = 0) -> dict:
    key = jax.random.key(seed)
    k_idx, k_tab = jax.random.split(key)
    variable_hash = jax.random.randint(k_idx, (BATCH,), 0, HASH_SPACE_SIZE, dtype=jnp.int64 if jax.config.jax_enable_x64 else jnp.int32).astype(jnp.int32)
    embedding_table = jax.random.normal(k_tab, (HASH_SPACE_SIZE, EMBEDDING_DIM), dtype=jnp.float32)
    return {"variable_hash": variable_hash, "embedding_table": embedding_table}

def reference(variable_hash, embedding_table):
    # Original module: hash(variable_name) % hash_space_size -> embedding lookup.
    # The md5-hash-to-index step is precomputed into `variable_hash` (int indices
    # already reduced modulo hash_space_size). The core SparseCore-relevant op is
    # the embedding gather.
    emb = jnp.take(embedding_table, variable_hash, axis=0)
    return emb

if __name__ == "__main__":
    import jax
    _d = setup_inputs()
    print(jax.jit(kernel)(*tuple(_d.values())))

</pallas_src>

<mosaic_0001>
#map = affine_map<(d0, d1) -> (0, 0)>
#map1 = affine_map<(d0, d1) -> (0)>
module attributes {stable_mosaic.version = 14 : i64} {
  func.func @gather_kernel(%arg0: i32, %arg1: i32, %arg2: memref<1000000x64xf32, #tpu.memory_space<hbm>>, %arg3: memref<16384xi32, #tpu.memory_space<hbm>>, %arg4: memref<16384x64xf32, #tpu.memory_space<hbm>>, %arg5: memref<512xi32, #tpu.memory_space<vmem>>, %arg6: memref<512x64xf32, #tpu.memory_space<vmem>>, %arg7: memref<!tpu.dma_semaphore, #tpu.memory_space<semaphore_mem>>, %arg8: memref<!tpu.dma_semaphore, #tpu.memory_space<semaphore_mem>>, %arg9: memref<!tpu.dma_semaphore, #tpu.memory_space<semaphore_mem>>, %arg10: memref<!tpu.dma_semaphore, #tpu.memory_space<semaphore_mem>>) attributes {dimension_semantics = [#tpu.dimension_semantics<core_parallel>, #tpu.dimension_semantics<subcore_parallel>], iteration_bounds = array<i64: 2, 16>, scalar_prefetch = 0 : i64, scratch_operands = 6 : i64, tpu.core_type = #tpu.core_type<sc_vector_subcore>, window_params = [{transform_indices = #map}, {transform_indices = #map1}, {transform_indices = #map}]} {
    %mul3A = arith.constant 2 : i32
    %mul3A_0 = arith.muli %arg1, %mul3A : i32
    %add3A = arith.addi %mul3A_0, %arg0 : i32
    %mul3A_1 = arith.constant 512 : i32
    %mul3A_2 = arith.muli %add3A, %mul3A_1 : i32
    "tpu.region"() ({
      %run_scoped3A = tpu.sem_alloc : memref<!tpu.dma_semaphore, #tpu.memory_space<semaphore_mem>>
      %dma_start3A = tpu.memref_slice %arg3[%mul3A_2] : memref<16384xi32, #tpu.memory_space<hbm>> -> memref<512xi32, #tpu.memory_space<hbm>>
      %dma_start3A_13 = tpu.memref_slice %arg3[%mul3A_2] : memref<16384xi32, #tpu.memory_space<hbm>> -> memref<512xi32, #tpu.memory_space<hbm>>
      tpu.enqueue_dma source(%dma_start3A_13 : memref<512xi32, #tpu.memory_space<hbm>>) target(%arg5 : memref<512xi32, #tpu.memory_space<vmem>>) target_semaphore(%run_scoped3A : memref<!tpu.dma_semaphore, #tpu.memory_space<semaphore_mem>>)
      %dma_wait3A = tpu.memref_slice %arg3[%mul3A_2] : memref<16384xi32, #tpu.memory_space<hbm>> -> memref<512xi32, #tpu.memory_space<hbm>>
      %dma_wait3A_14 = tpu.memref_slice %arg3[%mul3A_2] : memref<16384xi32, #tpu.memory_space<hbm>> -> memref<512xi32, #tpu.memory_space<hbm>>
      tpu.wait_dma2 semaphore(%run_scoped3A : memref<!tpu.dma_semaphore, #tpu.memory_space<semaphore_mem>>) src(%dma_wait3A_14 : memref<512xi32, #tpu.memory_space<hbm>>) dst(%arg5 : memref<512xi32, #tpu.memory_space<vmem>>)
      tpu.yield
    }) : () -> ()
    %iota3A = tpu.iota {dimensions = array<i32: 0>} : vector<16xi32>
    %broadcast_in_dim3A = arith.constant -2147483648 : i32
    %broadcast_in_dim3A_3 = vector.broadcast %broadcast_in_dim3A : i32 to vector<16xi32>
    %scan3A = arith.constant 0 : i32
    %scan3A_4 = arith.constant 32 : i32
    %scan3A_5 = arith.addi %scan3A, %scan3A_4 : i32
    %scan3A_6 = arith.constant 1 : i32
    scf.for %scan3A_13 = %scan3A to %scan3A_5 step %scan3A_6  : i32 {
      %mul3A_14 = arith.constant 1 : i32
      %mul3A_15 = arith.muli %scan3A_13, %mul3A_14 : i32
      %add3A_16 = arith.constant 0 : i32
      %add3A_17 = arith.addi %add3A_16, %mul3A_15 : i32
      %mul3A_18 = arith.constant 16 : i32
      %mul3A_19 = arith.muli %add3A_17, %mul3A_18 : i32
      %get3A = arith.index_cast %mul3A_19 : i32 to index
      %get3A_20 = tpu.vector_load %arg5[%get3A] {strides = array<i32>} : memref<512xi32, #tpu.memory_space<vmem>>, vector<16xi32>,
      %eq3A = arith.constant 0 : i32
      %eq3A_21 = vector.broadcast %eq3A : i32 to vector<16xi32>
      %eq3A_22 = arith.cmpi eq, %iota3A, %eq3A_21 : vector<16xi32>
      %select_n3A = arith.select %eq3A_22, %get3A_20, %broadcast_in_dim3A_3 : vector<16xi1>, vector<16xi32>
      %reduce_max3A = arith.constant true
      %reduce_max3A_23 = vector.broadcast %reduce_max3A : i1 to vector<16xi1>
      %reduce_max3A_24 = arith.constant -2147483648 : i32
      %reduce_max3A_25 = vector.broadcast %reduce_max3A_24 : i32 to vector<16xi32>
      %reduce_max3A_26 = arith.xori %select_n3A, %reduce_max3A_25 : vector<16xi32>
      %reduce_max3A_27 = tpu.scan <max>, %reduce_max3A_26 masked %reduce_max3A_23 : vector<16xi32>, vector<16xi1> -> vector<16xi32>
      %reduce_max3A_28 = arith.xori %reduce_max3A_27, %reduce_max3A_25 : vector<16xi32>
      %reduce_max3A_29 = vector.extract %reduce_max3A_28[15] : i32 from vector<16xi32>
      %mul3A_30 = arith.constant 16 : i32
      %mul3A_31 = arith.muli %add3A_17, %mul3A_30 : i32
      %add3A_32 = arith.constant 0 : i32
      %add3A_33 = arith.addi %mul3A_31, %add3A_32 : i32
      %dma_start3A = arith.constant 0 : i32
      %dma_start3A_34 = tpu.memref_slice %arg6[%add3A_33, %dma_start3A] : memref<512x64xf32, #tpu.memory_space<vmem>> -> memref<1x64xf32, #tpu.memory_space<vmem>>
      %dma_start3A_35 = arith.constant 0 : i32
      %dma_start3A_36 = tpu.memref_slice %arg2[%reduce_max3A_29, %dma_start3A_35] : memref<1000000x64xf32, #tpu.memory_space<hbm>> -> memref<1x64xf32, #tpu.memory_space<hbm>>
      %dma_start3A_37 = arith.constant 0 : i32
      %dma_start3A_38 = tpu.memref_slice %arg6[%add3A_33, %dma_start3A_37] : memref<512x64xf32, #tpu.memory_space<vmem>> -> memref<1x64xf32, #tpu.memory_space<vmem>>
      %dma_start3A_39 = arith.constant 0 : i32
      %dma_start3A_40 = tpu.memref_slice %arg2[%reduce_max3A_29, %dma_start3A_39] : memref<1000000x64xf32, #tpu.memory_space<hbm>> -> memref<1x64xf32, #tpu.memory_space<hbm>>
      tpu.enqueue_dma source(%dma_start3A_40 : memref<1x64xf32, #tpu.memory_space<hbm>>) target(%dma_start3A_38 : memref<1x64xf32, #tpu.memory_space<vmem>>) target_semaphore(%arg7 : memref<!tpu.dma_semaphore, #tpu.memory_space<semaphore_mem>>)
      %eq3A_41 = arith.constant 1 : i32
      %eq3A_42 = vector.broadcast %eq3A_41 : i32 to vector<16xi32>
      %eq3A_43 = arith.cmpi eq, %iota3A, %eq3A_42 : vector<16xi32>
      %select_n3A_44 = arith.select %eq3A_43, %get3A_20, %broadcast_in_dim3A_3 : vector<16xi1>, vector<16xi32>
      %reduce_max3A_45 = arith.constant true
      %reduce_max3A_46 = vector.broadcast %reduce_max3A_45 : i1 to vector<16xi1>
      %reduce_max3A_47 = arith.constant -2147483648 : i32
      %reduce_max3A_48 = vector.broadcast %reduce_max3A_47 : i32 to vector<16xi32>
      %reduce_max3A_49 = arith.xori %select_n3A_44, %reduce_max3A_48 : vector<16xi32>
      %reduce_max3A_50 = tpu.scan <max>, %reduce_max3A_49 masked %reduce_max3A_46 : vector<16xi32>, vector<16xi1> -> vector<16xi32>
      %reduce_max3A_51 = arith.xori %reduce_max3A_50, %reduce_max3A_48 : vector<16xi32>
      %reduce_max3A_52 = vector.extract %reduce_max3A_51[15] : i32 from vector<16xi32>
      %mul3A_53 = arith.constant 16 : i32
      %mul3A_54 = arith.muli %add3A_17, %mul3A_53 : i32
      %add3A_55 = arith.constant 1 : i32
      %add3A_56 = arith.addi %mul3A_54, %add3A_55 : i32
      %dma_start3A_57 = arith.constant 0 : i32
      %dma_start3A_58 = tpu.memref_slice %arg6[%add3A_56, %dma_start3A_57] : memref<512x64xf32, #tpu.memory_space<vmem>> -> memref<1x64xf32, #tpu.memory_space<vmem>>
      %dma_start3A_59 = arith.constant 0 : i32
      %dma_start3A_60 = tpu.memref_slice %arg2[%reduce_max3A_52, %dma_start3A_59] : memref<1000000x64xf32, #tpu.memory_space<hbm>> -> memref<1x64xf32, #tpu.memory_space<hbm>>
      %dma_start3A_61 = arith.constant 0 : i32
      %dma_start3A_62 = tpu.memref_slice %arg6[%add3A_56, %dma_start3A_61] : memref<512x64xf32, #tpu.memory_space<vmem>> -> memref<1x64xf32, #tpu.memory_space<vmem>>
      %dma_start3A_63 = arith.constant 0 : i32
      %dma_start3A_64 = tpu.memref_slice %arg2[%reduce_max3A_52, %dma_start3A_63] : memref<1000000x64xf32, #tpu.memory_space<hbm>> -> memref<1x64xf32, #tpu.memory_space<hbm>>
      tpu.enqueue_dma source(%dma_start3A_64 : memref<1x64xf32, #tpu.memory_space<hbm>>) target(%dma_start3A_62 : memref<1x64xf32, #tpu.memory_space<vmem>>) target_semaphore(%arg8 : memref<!tpu.dma_semaphore, #tpu.memory_space<semaphore_mem>>)
      %eq3A_65 = arith.constant 2 : i32
      %eq3A_66 = vector.broadcast %eq3A_65 : i32 to vector<16xi32>
      %eq3A_67 = arith.cmpi eq, %iota3A, %eq3A_66 : vector<16xi32>
      %select_n3A_68 = arith.select %eq3A_67, %get3A_20, %broadcast_in_dim3A_3 : vector<16xi1>, vector<16xi32>
      %reduce_max3A_69 = arith.constant true
      %reduce_max3A_70 = vector.broadcast %reduce_max3A_69 : i1 to vector<16xi1>
      %reduce_max3A_71 = arith.constant -2147483648 : i32
      %reduce_max3A_72 = vector.broadcast %reduce_max3A_71 : i32 to vector<16xi32>
      %reduce_max3A_73 = arith.xori %select_n3A_68, %reduce_max3A_72 : vector<16xi32>
      %reduce_max3A_74 = tpu.scan <max>, %reduce_max3A_73 masked %reduce_max3A_70 : vector<16xi32>, vector<16xi1> -> vector<16xi32>
      %reduce_max3A_75 = arith.xori %reduce_max3A_74, %reduce_max3A_72 : vector<16xi32>
      %reduce_max3A_76 = vector.extract %reduce_max3A_75[15] : i32 from vector<16xi32>
      %mul3A_77 = arith.constant 16 : i32
      %mul3A_78 = arith.muli %add3A_17, %mul3A_77 : i32
      %add3A_79 = arith.constant 2 : i32
      %add3A_80 = arith.addi %mul3A_78, %add3A_79 : i32
      %dma_start3A_81 = arith.constant 0 : i32
      %dma_start3A_82 = tpu.memref_slice %arg6[%add3A_80, %dma_start3A_81] : memref<512x64xf32, #tpu.memory_space<vmem>> -> memref<1x64xf32, #tpu.memory_space<vmem>>
      %dma_start3A_83 = arith.constant 0 : i32
      %dma_start3A_84 = tpu.memref_slice %arg2[%reduce_max3A_76, %dma_start3A_83] : memref<1000000x64xf32, #tpu.memory_space<hbm>> -> memref<1x64xf32, #tpu.memory_space<hbm>>
      %dma_start3A_85 = arith.constant 0 : i32
      %dma_start3A_86 = tpu.memref_slice %arg6[%add3A_80, %dma_start3A_85] : memref<512x64xf32, #tpu.memory_space<vmem>> -> memref<1x64xf32, #tpu.memory_space<vmem>>
      %dma_start3A_87 = arith.constant 0 : i32
      %dma_start3A_88 = tpu.memref_slice %arg2[%reduce_max3A_76, %dma_start3A_87] : memref<1000000x64xf32, #tpu.memory_space<hbm>> -> memref<1x64xf32, #tpu.memory_space<hbm>>
      tpu.enqueue_dma source(%dma_start3A_88 : memref<1x64xf32, #tpu.memory_space<hbm>>) target(%dma_start3A_86 : memref<1x64xf32, #tpu.memory_space<vmem>>) target_semaphore(%arg9 : memref<!tpu.dma_semaphore, #tpu.memory_space<semaphore_mem>>)
      %eq3A_89 = arith.constant 3 : i32
      %eq3A_90 = vector.broadcast %eq3A_89 : i32 to vector<16xi32>
      %eq3A_91 = arith.cmpi eq, %iota3A, %eq3A_90 : vector<16xi32>
      %select_n3A_92 = arith.select %eq3A_91, %get3A_20, %broadcast_in_dim3A_3 : vector<16xi1>, vector<16xi32>
      %reduce_max3A_93 = arith.constant true
      %reduce_max3A_94 = vector.broadcast %reduce_max3A_93 : i1 to vector<16xi1>
      %reduce_max3A_95 = arith.constant -2147483648 : i32
      %reduce_max3A_96 = vector.broadcast %reduce_max3A_95 : i32 to vector<16xi32>
      %reduce_max3A_97 = arith.xori %select_n3A_92, %reduce_max3A_96 : vector<16xi32>
      %reduce_max3A_98 = tpu.scan <max>, %reduce_max3A_97 masked %reduce_max3A_94 : vector<16xi32>, vector<16xi1> -> vector<16xi32>
      %reduce_max3A_99 = arith.xori %reduce_max3A_98, %reduce_max3A_96 : vector<16xi32>
      %reduce_max3A_100 = vector.extract %reduce_max3A_99[15] : i32 from vector<16xi32>
      %mul3A_101 = arith.constant 16 : i32
      %mul3A_102 = arith.muli %add3A_17, %mul3A_101 : i32
      %add3A_103 = arith.constant 3 : i32
      %add3A_104 = arith.addi %mul3A_102, %add3A_103 : i32
      %dma_start3A_105 = arith.constant 0 : i32
      %dma_start3A_106 = tpu.memref_slice %arg6[%add3A_104, %dma_start3A_105] : memref<512x64xf32, #tpu.memory_space<vmem>> -> memref<1x64xf32, #tpu.memory_space<vmem>>
      %dma_start3A_107 = arith.constant 0 : i32
      %dma_start3A_108 = tpu.memref_slice %arg2[%reduce_max3A_100, %dma_start3A_107] : memref<1000000x64xf32, #tpu.memory_space<hbm>> -> memref<1x64xf32, #tpu.memory_space<hbm>>
      %dma_start3A_109 = arith.constant 0 : i32
      %dma_start3A_110 = tpu.memref_slice %arg6[%add3A_104, %dma_start3A_109] : memref<512x64xf32, #tpu.memory_space<vmem>> -> memref<1x64xf32, #tpu.memory_space<vmem>>
      %dma_start3A_111 = arith.constant 0 : i32
      %dma_start3A_112 = tpu.memref_slice %arg2[%reduce_max3A_100, %dma_start3A_111] : memref<1000000x64xf32, #tpu.memory_space<hbm>> -> memref<1x64xf32, #tpu.memory_space<hbm>>
      tpu.enqueue_dma source(%dma_start3A_112 : memref<1x64xf32, #tpu.memory_space<hbm>>) target(%dma_start3A_110 : memref<1x64xf32, #tpu.memory_space<vmem>>) target_semaphore(%arg10 : memref<!tpu.dma_semaphore, #tpu.memory_space<semaphore_mem>>)
      %eq3A_113 = arith.constant 4 : i32
      %eq3A_114 = vector.broadcast %eq3A_113 : i32 to vector<16xi32>
      %eq3A_115 = arith.cmpi eq, %iota3A, %eq3A_114 : vector<16xi32>
      %select_n3A_116 = arith.select %eq3A_115, %get3A_20, %broadcast_in_dim3A_3 : vector<16xi1>, vector<16xi32>
      %reduce_max3A_117 = arith.constant true
      %reduce_max3A_118 = vector.broadcast %reduce_max3A_117 : i1 to vector<16xi1>
      %reduce_max3A_119 = arith.constant -2147483648 : i32
      %reduce_max3A_120 = vector.broadcast %reduce_max3A_119 : i32 to vector<16xi32>
      %reduce_max3A_121 = arith.xori %select_n3A_116, %reduce_max3A_120 : vector<16xi32>
      %reduce_max3A_122 = tpu.scan <max>, %reduce_max3A_121 masked %reduce_max3A_118 : vector<16xi32>, vector<16xi1> -> vector<16xi32>
      %reduce_max3A_123 = arith.xori %reduce_max3A_122, %reduce_max3A_120 : vector<16xi32>
      %reduce_max3A_124 = vector.extract %reduce_max3A_123[15] : i32 from vector<16xi32>
      %mul3A_125 = arith.constant 16 : i32
      %mul3A_126 = arith.muli %add3A_17, %mul3A_125 : i32
      %add3A_127 = arith.constant 4 : i32
      %add3A_128 = arith.addi %mul3A_126, %add3A_127 : i32
      %dma_start3A_129 = arith.constant 0 : i32
      %dma_start3A_130 = tpu.memref_slice %arg6[%add3A_128, %dma_start3A_129] : memref<512x64xf32, #tpu.memory_space<vmem>> -> memref<1x64xf32, #tpu.memory_space<vmem>>
      %dma_start3A_131 = arith.constant 0 : i32
      %dma_start3A_132 = tpu.memref_slice %arg2[%reduce_max3A_124, %dma_start3A_131] : memref<1000000x64xf32, #tpu.memory_space<hbm>> -> memref<1x64xf32, #tpu.memory_space<hbm>>
      %dma_start3A_133 = arith.constant 0 : i32
      %dma_start3A_134 = tpu.memref_slice %arg6[%add3A_128, %dma_start3A_133] : memref<512x64xf32, #tpu.memory_space<vmem>> -> memref<1x64xf32, #tpu.memory_space<vmem>>
      %dma_start3A_135 = arith.constant 0 : i32
      %dma_start3A_136 = tpu.memref_slice %arg2[%reduce_max3A_124, %dma_start3A_135] : memref<1000000x64xf32, #tpu.memory_space<hbm>> -> memref<1x64xf32, #tpu.memory_space<hbm>>
      tpu.enqueue_dma source(%dma_start3A_136 : memref<1x64xf32, #tpu.memory_space<hbm>>) target(%dma_start3A_134 : memref<1x64xf32, #tpu.memory_space<vmem>>) target_semaphore(%arg7 : memref<!tpu.dma_semaphore, #tpu.memory_space<semaphore_mem>>)
      %eq3A_137 = arith.constant 5 : i32
      %eq3A_138 = vector.broadcast %eq3A_137 : i32 to vector<16xi32>
      %eq3A_139 = arith.cmpi eq, %iota3A, %eq3A_138 : vector<16xi32>
      %select_n3A_140 = arith.select %eq3A_139, %get3A_20, %broadcast_in_dim3A_3 : vector<16xi1>, vector<16xi32>
      %reduce_max3A_141 = arith.constant true
      %reduce_max3A_142 = vector.broadcast %reduce_max3A_141 : i1 to vector<16xi1>
      %reduce_max3A_143 = arith.constant -2147483648 : i32
      %reduce_max3A_144 = vector.broadcast %reduce_max3A_143 : i32 to vector<16xi32>
      %reduce_max3A_145 = arith.xori %select_n3A_140, %reduce_max3A_144 : vector<16xi32>
      %reduce_max3A_146 = tpu.scan <max>, %reduce_max3A_145 masked %reduce_max3A_142 : vector<16xi32>, vector<16xi1> -> vector<16xi32>
      %reduce_max3A_147 = arith.xori %reduce_max3A_146, %reduce_max3A_144 : vector<16xi32>
      %reduce_max3A_148 = vector.extract %reduce_max3A_147[15] : i32 from vector<16xi32>
      %mul3A_149 = arith.constant 16 : i32
      %mul3A_150 = arith.muli %add3A_17, %mul3A_149 : i32
      %add3A_151 = arith.constant 5 : i32
      %add3A_152 = arith.addi %mul3A_150, %add3A_151 : i32
      %dma_start3A_153 = arith.constant 0 : i32
      %dma_start3A_154 = tpu.memref_slice %arg6[%add3A_152, %dma_start3A_153] : memref<512x64xf32, #tpu.memory_space<vmem>> -> memref<1x64xf32, #tpu.memory_space<vmem>>
      %dma_start3A_155 = arith.constant 0 : i32
      %dma_start3A_156 = tpu.memref_slice %arg2[%reduce_max3A_148, %dma_start3A_155] : memref<1000000x64xf32, #tpu.memory_space<hbm>> -> memref<1x64xf32, #tpu.memory_space<hbm>>
      %dma_start3A_157 = arith.constant 0 : i32
      %dma_start3A_158 = tpu.memref_slice %arg6[%add3A_152, %dma_start3A_157] : memref<512x64xf32, #tpu.memory_space<vmem>> -> memref<1x64xf32, #tpu.memory_space<vmem>>
      %dma_start3A_159 = arith.constant 0 : i32
      %dma_start3A_160 = tpu.memref_slice %arg2[%reduce_max3A_148, %dma_start3A_159] : memref<1000000x64xf32, #tpu.memory_space<hbm>> -> memref<1x64xf32, #tpu.memory_space<hbm>>
      tpu.enqueue_dma source(%dma_start3A_160 : memref<1x64xf32, #tpu.memory_space<hbm>>) target(%dma_start3A_158 : memref<1x64xf32, #tpu.memory_space<vmem>>) target_semaphore(%arg8 : memref<!tpu.dma_semaphore, #tpu.memory_space<semaphore_mem>>)
      %eq3A_161 = arith.constant 6 : i32
      %eq3A_162 = vector.broadcast %eq3A_161 : i32 to vector<16xi32>
      %eq3A_163 = arith.cmpi eq, %iota3A, %eq3A_162 : vector<16xi32>
      %select_n3A_164 = arith.select %eq3A_163, %get3A_20, %broadcast_in_dim3A_3 : vector<16xi1>, vector<16xi32>
      %reduce_max3A_165 = arith.constant true
      %reduce_max3A_166 = vector.broadcast %reduce_max3A_165 : i1 to vector<16xi1>
      %reduce_max3A_167 = arith.constant -2147483648 : i32
      %reduce_max3A_168 = vector.broadcast %reduce_max3A_167 : i32 to vector<16xi32>
      %reduce_max3A_169 = arith.xori %select_n3A_164, %reduce_max3A_168 : vector<16xi32>
      %reduce_max3A_170 = tpu.scan <max>, %reduce_max3A_169 masked %reduce_max3A_166 : vector<16xi32>, vector<16xi1> -> vector<16xi32>
      %reduce_max3A_171 = arith.xori %reduce_max3A_170, %reduce_max3A_168 : vector<16xi32>
      %reduce_max3A_172 = vector.extract %reduce_max3A_171[15] : i32 from vector<16xi32>
      %mul3A_173 = arith.constant 16 : i32
      %mul3A_174 = arith.muli %add3A_17, %mul3A_173 : i32
      %add3A_175 = arith.constant 6 : i32
      %add3A_176 = arith.addi %mul3A_174, %add3A_175 : i32
      %dma_start3A_177 = arith.constant 0 : i32
      %dma_start3A_178 = tpu.memref_slice %arg6[%add3A_176, %dma_start3A_177] : memref<512x64xf32, #tpu.memory_space<vmem>> -> memref<1x64xf32, #tpu.memory_space<vmem>>
      %dma_start3A_179 = arith.constant 0 : i32
      %dma_start3A_180 = tpu.memref_slice %arg2[%reduce_max3A_172, %dma_start3A_179] : memref<1000000x64xf32, #tpu.memory_space<hbm>> -> memref<1x64xf32, #tpu.memory_space<hbm>>
      %dma_start3A_181 = arith.constant 0 : i32
      %dma_start3A_182 = tpu.memref_slice %arg6[%add3A_176, %dma_start3A_181] : memref<512x64xf32, #tpu.memory_space<vmem>> -> memref<1x64xf32, #tpu.memory_space<vmem>>
      %dma_start3A_183 = arith.constant 0 : i32
      %dma_start3A_184 = tpu.memref_slice %arg2[%reduce_max3A_172, %dma_start3A_183] : memref<1000000x64xf32, #tpu.memory_space<hbm>> -> memref<1x64xf32, #tpu.memory_space<hbm>>
      tpu.enqueue_dma source(%dma_start3A_184 : memref<1x64xf32, #tpu.memory_space<hbm>>) target(%dma_start3A_182 : memref<1x64xf32, #tpu.memory_space<vmem>>) target_semaphore(%arg9 : memref<!tpu.dma_semaphore, #tpu.memory_space<semaphore_mem>>)
      %eq3A_185 = arith.constant 7 : i32
      %eq3A_186 = vector.broadcast %eq3A_185 : i32 to vector<16xi32>
      %eq3A_187 = arith.cmpi eq, %iota3A, %eq3A_186 : vector<16xi32>
      %select_n3A_188 = arith.select %eq3A_187, %get3A_20, %broadcast_in_dim3A_3 : vector<16xi1>, vector<16xi32>
      %reduce_max3A_189 = arith.constant true
      %reduce_max3A_190 = vector.broadcast %reduce_max3A_189 : i1 to vector<16xi1>
      %reduce_max3A_191 = arith.constant -2147483648 : i32
      %reduce_max3A_192 = vector.broadcast %reduce_max3A_191 : i32 to vector<16xi32>
      %reduce_max3A_193 = arith.xori %select_n3A_188, %reduce_max3A_192 : vector<16xi32>
      %reduce_max3A_194 = tpu.scan <max>, %reduce_max3A_193 masked %reduce_max3A_190 : vector<16xi32>, vector<16xi1> -> vector<16xi32>
      %reduce_max3A_195 = arith.xori %reduce_max3A_194, %reduce_max3A_192 : vector<16xi32>
      %reduce_max3A_196 = vector.extract %reduce_max3A_195[15] : i32 from vector<16xi32>
      %mul3A_197 = arith.constant 16 : i32
      %mul3A_198 = arith.muli %add3A_17, %mul3A_197 : i32
      %add3A_199 = arith.constant 7 : i32
      %add3A_200 = arith.addi %mul3A_198, %add3A_199 : i32
      %dma_start3A_201 = arith.constant 0 : i32
      %dma_start3A_202 = tpu.memref_slice %arg6[%add3A_200, %dma_start3A_201] : memref<512x64xf32, #tpu.memory_space<vmem>> -> memref<1x64xf32, #tpu.memory_space<vmem>>
      %dma_start3A_203 = arith.constant 0 : i32
      %dma_start3A_204 = tpu.memref_slice %arg2[%reduce_max3A_196, %dma_start3A_203] : memref<1000000x64xf32, #tpu.memory_space<hbm>> -> memref<1x64xf32, #tpu.memory_space<hbm>>
      %dma_start3A_205 = arith.constant 0 : i32
      %dma_start3A_206 = tpu.memref_slice %arg6[%add3A_200, %dma_start3A_205] : memref<512x64xf32, #tpu.memory_space<vmem>> -> memref<1x64xf32, #tpu.memory_space<vmem>>
      %dma_start3A_207 = arith.constant 0 : i32
      %dma_start3A_208 = tpu.memref_slice %arg2[%reduce_max3A_196, %dma_start3A_207] : memref<1000000x64xf32, #tpu.memory_space<hbm>> -> memref<1x64xf32, #tpu.memory_space<hbm>>
      tpu.enqueue_dma source(%dma_start3A_208 : memref<1x64xf32, #tpu.memory_space<hbm>>) target(%dma_start3A_206 : memref<1x64xf32, #tpu.memory_space<vmem>>) target_semaphore(%arg10 : memref<!tpu.dma_semaphore, #tpu.memory_space<semaphore_mem>>)
      %eq3A_209 = arith.constant 8 : i32
      %eq3A_210 = vector.broadcast %eq3A_209 : i32 to vector<16xi32>
      %eq3A_211 = arith.cmpi eq, %iota3A, %eq3A_210 : vector<16xi32>
      %select_n3A_212 = arith.select %eq3A_211, %get3A_20, %broadcast_in_dim3A_3 : vector<16xi1>, vector<16xi32>
      %reduce_max3A_213 = arith.constant true
      %reduce_max3A_214 = vector.broadcast %reduce_max3A_213 : i1 to vector<16xi1>
      %reduce_max3A_215 = arith.constant -2147483648 : i32
      %reduce_max3A_216 = vector.broadcast %reduce_max3A_215 : i32 to vector<16xi32>
      %reduce_max3A_217 = arith.xori %select_n3A_212, %reduce_max3A_216 : vector<16xi32>
      %reduce_max3A_218 = tpu.scan <max>, %reduce_max3A_217 masked %reduce_max3A_214 : vector<16xi32>, vector<16xi1> -> vector<16xi32>
      %reduce_max3A_219 = arith.xori %reduce_max3A_218, %reduce_max3A_216 : vector<16xi32>
      %reduce_max3A_220 = vector.extract %reduce_max3A_219[15] : i32 from vector<16xi32>
      %mul3A_221 = arith.constant 16 : i32
      %mul3A_222 = arith.muli %add3A_17, %mul3A_221 : i32
      %add3A_223 = arith.constant 8 : i32
      %add3A_224 = arith.addi %mul3A_222, %add3A_223 : i32
      %dma_start3A_225 = arith.constant 0 : i32
      %dma_start3A_226 = tpu.memref_slice %arg6[%add3A_224, %dma_start3A_225] : memref<512x64xf32, #tpu.memory_space<vmem>> -> memref<1x64xf32, #tpu.memory_space<vmem>>
      %dma_start3A_227 = arith.constant 0 : i32
      %dma_start3A_228 = tpu.memref_slice %arg2[%reduce_max3A_220, %dma_start3A_227] : memref<1000000x64xf32, #tpu.memory_space<hbm>> -> memref<1x64xf32, #tpu.memory_space<hbm>>
      %dma_start3A_229 = arith.constant 0 : i32
      %dma_start3A_230 = tpu.memref_slice %arg6[%add3A_224, %dma_start3A_229] : memref<512x64xf32, #tpu.memory_space<vmem>> -> memref<1x64xf32, #tpu.memory_space<vmem>>
      %dma_start3A_231 = arith.constant 0 : i32
      %dma_start3A_232 = tpu.memref_slice %arg2[%reduce_max3A_220, %dma_start3A_231] : memref<1000000x64xf32, #tpu.memory_space<hbm>> -> memref<1x64xf32, #tpu.memory_space<hbm>>
      tpu.enqueue_dma source(%dma_start3A_232 : memref<1x64xf32, #tpu.memory_space<hbm>>) target(%dma_start3A_230 : memref<1x64xf32, #tpu.memory_space<vmem>>) target_semaphore(%arg7 : memref<!tpu.dma_semaphore, #tpu.memory_space<semaphore_mem>>)
      %eq3A_233 = arith.constant 9 : i32
      %eq3A_234 = vector.broadcast %eq3A_233 : i32 to vector<16xi32>
      %eq3A_235 = arith.cmpi eq, %iota3A, %eq3A_234 : vector<16xi32>
      %select_n3A_236 = arith.select %eq3A_235, %get3A_20, %broadcast_in_dim3A_3 : vector<16xi1>, vector<16xi32>
      %reduce_max3A_237 = arith.constant true
      %reduce_max3A_238 = vector.broadcast %reduce_max3A_237 : i1 to vector<16xi1>
      %reduce_max3A_239 = arith.constant -2147483648 : i32
      %reduce_max3A_240 = vector.broadcast %reduce_max3A_239 : i32 to vector<16xi32>
      %reduce_max3A_241 = arith.xori %select_n3A_236, %reduce_max3A_240 : vector<16xi32>
      %reduce_max3A_242 = tpu.scan <max>, %reduce_max3A_241 masked %reduce_max3A_238 : vector<16xi32>, vector<16xi1> -> vector<16xi32>
      %reduce_max3A_243 = arith.xori %reduce_max3A_242, %reduce_max3A_240 : vector<16xi32>
      %reduce_max3A_244 = vector.extract %reduce_max3A_243[15] : i32 from vector<16xi32>
      %mul3A_245 = arith.constant 16 : i32
      %mul3A_246 = arith.muli %add3A_17, %mul3A_245 : i32
      %add3A_247 = arith.constant 9 : i32
      %add3A_248 = arith.addi %mul3A_246, %add3A_247 : i32
      %dma_start3A_249 = arith.constant 0 : i32
      %dma_start3A_250 = tpu.memref_slice %arg6[%add3A_248, %dma_start3A_249] : memref<512x64xf32, #tpu.memory_space<vmem>> -> memref<1x64xf32, #tpu.memory_space<vmem>>
      %dma_start3A_251 = arith.constant 0 : i32
      %dma_start3A_252 = tpu.memref_slice %arg2[%reduce_max3A_244, %dma_start3A_251] : memref<1000000x64xf32, #tpu.memory_space<hbm>> -> memref<1x64xf32, #tpu.memory_space<hbm>>
      %dma_start3A_253 = arith.constant 0 : i32
      %dma_start3A_254 = tpu.memref_slice %arg6[%add3A_248, %dma_start3A_253] : memref<512x64xf32, #tpu.memory_space<vmem>> -> memref<1x64xf32, #tpu.memory_space<vmem>>
      %dma_start3A_255 = arith.constant 0 : i32
      %dma_start3A_256 = tpu.memref_slice %arg2[%reduce_max3A_244, %dma_start3A_255] : memref<1000000x64xf32, #tpu.memory_space<hbm>> -> memref<1x64xf32, #tpu.memory_space<hbm>>
      tpu.enqueue_dma source(%dma_start3A_256 : memref<1x64xf32, #tpu.memory_space<hbm>>) target(%dma_start3A_254 : memref<1x64xf32, #tpu.memory_space<vmem>>) target_semaphore(%arg8 : memref<!tpu.dma_semaphore, #tpu.memory_space<semaphore_mem>>)
      %eq3A_257 = arith.constant 10 : i32
      %eq3A_258 = vector.broadcast %eq3A_257 : i32 to vector<16xi32>
      %eq3A_259 = arith.cmpi eq, %iota3A, %eq3A_258 : vector<16xi32>
      %select_n3A_260 = arith.select %eq3A_259, %get3A_20, %broadcast_in_dim3A_3 : vector<16xi1>, vector<16xi32>
      %reduce_max3A_261 = arith.constant true
      %reduce_max3A_262 = vector.broadcast %reduce_max3A_261 : i1 to vector<16xi1>
      %reduce_max3A_263 = arith.constant -2147483648 : i32
      %reduce_max3A_264 = vector.broadcast %reduce_max3A_263 : i32 to vector<16xi32>
      %reduce_max3A_265 = arith.xori %select_n3A_260, %reduce_max3A_264 : vector<16xi32>
      %reduce_max3A_266 = tpu.scan <max>, %reduce_max3A_265 masked %reduce_max3A_262 : vector<16xi32>, vector<16xi1> -> vector<16xi32>
      %reduce_max3A_267 = arith.xori %reduce_max3A_266, %reduce_max3A_264 : vector<16xi32>
      %reduce_max3A_268 = vector.extract %reduce_max3A_267[15] : i32 from vector<16xi32>
      %mul3A_269 = arith.constant 16 : i32
      %mul3A_270 = arith.muli %add3A_17, %mul3A_269 : i32
      %add3A_271 = arith.constant 10 : i32
      %add3A_272 = arith.addi %mul3A_270, %add3A_271 : i32
      %dma_start3A_273 = arith.constant 0 : i32
      %dma_start3A_274 = tpu.memref_slice %arg6[%add3A_272, %dma_start3A_273] : memref<512x64xf32, #tpu.memory_space<vmem>> -> memref<1x64xf32, #tpu.memory_space<vmem>>
      %dma_start3A_275 = arith.constant 0 : i32
      %dma_start3A_276 = tpu.memref_slice %arg2[%reduce_max3A_268, %dma_start3A_275] : memref<1000000x64xf32, #tpu.memory_space<hbm>> -> memref<1x64xf32, #tpu.memory_space<hbm>>
      %dma_start3A_277 = arith.constant 0 : i32
      %dma_start3A_278 = tpu.memref_slice %arg6[%add3A_272, %dma_start3A_277] : memref<512x64xf32, #tpu.memory_space<vmem>> -> memref<1x64xf32, #tpu.memory_space<vmem>>
      %dma_start3A_279 = arith.constant 0 : i32
      %dma_start3A_280 = tpu.memref_slice %arg2[%reduce_max3A_268, %dma_start3A_279] : memref<1000000x64xf32, #tpu.memory_space<hbm>> -> memref<1x64xf32, #tpu.memory_space<hbm>>
      tpu.enqueue_dma source(%dma_start3A_280 : memref<1x64xf32, #tpu.memory_space<hbm>>) target(%dma_start3A_278 : memref<1x64xf32, #tpu.memory_space<vmem>>) target_semaphore(%arg9 : memref<!tpu.dma_semaphore, #tpu.memory_space<semaphore_mem>>)
      %eq3A_281 = arith.constant 11 : i32
      %eq3A_282 = vector.broadcast %eq3A_281 : i32 to vector<16xi32>
      %eq3A_283 = arith.cmpi eq, %iota3A, %eq3A_282 : vector<16xi32>
      %select_n3A_284 = arith.select %eq3A_283, %get3A_20, %broadcast_in_dim3A_3 : vector<16xi1>, vector<16xi32>
      %reduce_max3A_285 = arith.constant true
      %reduce_max3A_286 = vector.broadcast %reduce_max3A_285 : i1 to vector<16xi1>
      %reduce_max3A_287 = arith.constant -2147483648 : i32
      %reduce_max3A_288 = vector.broadcast %reduce_max3A_287 : i32 to vector<16xi32>
      %reduce_max3A_289 = arith.xori %select_n3A_284, %reduce_max3A_288 : vector<16xi32>
      %reduce_max3A_290 = tpu.scan <max>, %reduce_max3A_289 masked %reduce_max3A_286 : vector<16xi32>, vector<16xi1> -> vector<16xi32>
      %reduce_max3A_291 = arith.xori %reduce_max3A_290, %reduce_max3A_288 : vector<16xi32>
      %reduce_max3A_292 = vector.extract %reduce_max3A_291[15] : i32 from vector<16xi32>
      %mul3A_293 = arith.constant 16 : i32
      %mul3A_294 = arith.muli %add3A_17, %mul3A_293 : i32
      %add3A_295 = arith.constant 11 : i32
      %add3A_296 = arith.addi %mul3A_294, %add3A_295 : i32
      %dma_start3A_297 = arith.constant 0 : i32
      %dma_start3A_298 = tpu.memref_slice %arg6[%add3A_296, %dma_start3A_297] : memref<512x64xf32, #tpu.memory_space<vmem>> -> memref<1x64xf32, #tpu.memory_space<vmem>>
      %dma_start3A_299 = arith.constant 0 : i32
      %dma_start3A_300 = tpu.memref_slice %arg2[%reduce_max3A_292, %dma_start3A_299] : memref<1000000x64xf32, #tpu.memory_space<hbm>> -> memref<1x64xf32, #tpu.memory_space<hbm>>
      %dma_start3A_301 = arith.constant 0 : i32
      %dma_start3A_302 = tpu.memref_slice %arg6[%add3A_296, %dma_start3A_301] : memref<512x64xf32, #tpu.memory_space<vmem>> -> memref<1x64xf32, #tpu.memory_space<vmem>>
      %dma_start3A_303 = arith.constant 0 : i32
      %dma_start3A_304 = tpu.memref_slice %arg2[%reduce_max3A_292, %dma_start3A_303] : memref<1000000x64xf32, #tpu.memory_space<hbm>> -> memref<1x64xf32, #tpu.memory_space<hbm>>
      tpu.enqueue_dma source(%dma_start3A_304 : memref<1x64xf32, #tpu.memory_space<hbm>>) target(%dma_start3A_302 : memref<1x64xf32, #tpu.memory_space<vmem>>) target_semaphore(%arg10 : memref<!tpu.dma_semaphore, #tpu.memory_space<semaphore_mem>>)
      %eq3A_305 = arith.constant 12 : i32
      %eq3A_306 = vector.broadcast %eq3A_305 : i32 to vector<16xi32>
      %eq3A_307 = arith.cmpi eq, %iota3A, %eq3A_306 : vector<16xi32>
      %select_n3A_308 = arith.select %eq3A_307, %get3A_20, %broadcast_in_dim3A_3 : vector<16xi1>, vector<16xi32>
      %reduce_max3A_309 = arith.constant true
      %reduce_max3A_310 = vector.broadcast %reduce_max3A_309 : i1 to vector<16xi1>
      %reduce_max3A_311 = arith.constant -2147483648 : i32
      %reduce_max3A_312 = vector.broadcast %reduce_max3A_311 : i32 to vector<16xi32>
      %reduce_max3A_313 = arith.xori %select_n3A_308, %reduce_max3A_312 : vector<16xi32>
      %reduce_max3A_314 = tpu.scan <max>, %reduce_max3A_313 masked %reduce_max3A_310 : vector<16xi32>, vector<16xi1> -> vector<16xi32>
      %reduce_max3A_315 = arith.xori %reduce_max3A_314, %reduce_max3A_312 : vector<16xi32>
      %reduce_max3A_316 = vector.extract %reduce_max3A_315[15] : i32 from vector<16xi32>
      %mul3A_317 = arith.constant 16 : i32
      %mul3A_318 = arith.muli %add3A_17, %mul3A_317 : i32
      %add3A_319 = arith.constant 12 : i32
      %add3A_320 = arith.addi %mul3A_318, %add3A_319 : i32
      %dma_start3A_321 = arith.constant 0 : i32
      %dma_start3A_322 = tpu.memref_slice %arg6[%add3A_320, %dma_start3A_321] : memref<512x64xf32, #tpu.memory_space<vmem>> -> memref<1x64xf32, #tpu.memory_space<vmem>>
      %dma_start3A_323 = arith.constant 0 : i32
      %dma_start3A_324 = tpu.memref_slice %arg2[%reduce_max3A_316, %dma_start3A_323] : memref<1000000x64xf32, #tpu.memory_space<hbm>> -> memref<1x64xf32, #tpu.memory_space<hbm>>
      %dma_start3A_325 = arith.constant 0 : i32
      %dma_start3A_326 = tpu.memref_slice %arg6[%add3A_320, %dma_start3A_325] : memref<512x64xf32, #tpu.memory_space<vmem>> -> memref<1x64xf32, #tpu.memory_space<vmem>>
      %dma_start3A_327 = arith.constant 0 : i32
      %dma_start3A_328 = tpu.memref_slice %arg2[%reduce_max3A_316, %dma_start3A_327] : memref<1000000x64xf32, #tpu.memory_space<hbm>> -> memref<1x64xf32, #tpu.memory_space<hbm>>
      tpu.enqueue_dma source(%dma_start3A_328 : memref<1x64xf32, #tpu.memory_space<hbm>>) target(%dma_start3A_326 : memref<1x64xf32, #tpu.memory_space<vmem>>) target_semaphore(%arg7 : memref<!tpu.dma_semaphore, #tpu.memory_space<semaphore_mem>>)
      %eq3A_329 = arith.constant 13 : i32
      %eq3A_330 = vector.broadcast %eq3A_329 : i32 to vector<16xi32>
      %eq3A_331 = arith.cmpi eq, %iota3A, %eq3A_330 : vector<16xi32>
      %select_n3A_332 = arith.select %eq3A_331, %get3A_20, %broadcast_in_dim3A_3 : vector<16xi1>, vector<16xi32>
      %reduce_max3A_333 = arith.constant true
      %reduce_max3A_334 = vector.broadcast %reduce_max3A_333 : i1 to vector<16xi1>
      %reduce_max3A_335 = arith.constant -2147483648 : i32
      %reduce_max3A_336 = vector.broadcast %reduce_max3A_335 : i32 to vector<16xi32>
      %reduce_max3A_337 = arith.xori %select_n3A_332, %reduce_max3A_336 : vector<16xi32>
      %reduce_max3A_338 = tpu.scan <max>, %reduce_max3A_337 masked %reduce_max3A_334 : vector<16xi32>, vector<16xi1> -> vector<16xi32>
      %reduce_max3A_339 = arith.xori %reduce_max3A_338, %reduce_max3A_336 : vector<16xi32>
      %reduce_max3A_340 = vector.extract %reduce_max3A_339[15] : i32 from vector<16xi32>
      %mul3A_341 = arith.constant 16 : i32
      %mul3A_342 = arith.muli %add3A_17, %mul3A_341 : i32
      %add3A_343 = arith.constant 13 : i32
      %add3A_344 = arith.addi %mul3A_342, %add3A_343 : i32
      %dma_start3A_345 = arith.constant 0 : i32
      %dma_start3A_346 = tpu.memref_slice %arg6[%add3A_344, %dma_start3A_345] : memref<512x64xf32, #tpu.memory_space<vmem>> -> memref<1x64xf32, #tpu.memory_space<vmem>>
      %dma_start3A_347 = arith.constant 0 : i32
      %dma_start3A_348 = tpu.memref_slice %arg2[%reduce_max3A_340, %dma_start3A_347] : memref<1000000x64xf32, #tpu.memory_space<hbm>> -> memref<1x64xf32, #tpu.memory_space<hbm>>
      %dma_start3A_349 = arith.constant 0 : i32
      %dma_start3A_350 = tpu.memref_slice %arg6[%add3A_344, %dma_start3A_349] : memref<512x64xf32, #tpu.memory_space<vmem>> -> memref<1x64xf32, #tpu.memory_space<vmem>>
      %dma_start3A_351 = arith.constant 0 : i32
      %dma_start3A_352 = tpu.memref_slice %arg2[%reduce_max3A_340, %dma_start3A_351] : memref<1000000x64xf32, #tpu.memory_space<hbm>> -> memref<1x64xf32, #tpu.memory_space<hbm>>
      tpu.enqueue_dma source(%dma_start3A_352 : memref<1x64xf32, #tpu.memory_space<hbm>>) target(%dma_start3A_350 : memref<1x64xf32, #tpu.memory_space<vmem>>) target_semaphore(%arg8 : memref<!tpu.dma_semaphore, #tpu.memory_space<semaphore_mem>>)
      %eq3A_353 = arith.constant 14 : i32
      %eq3A_354 = vector.broadcast %eq3A_353 : i32 to vector<16xi32>
      %eq3A_355 = arith.cmpi eq, %iota3A, %eq3A_354 : vector<16xi32>
      %select_n3A_356 = arith.select %eq3A_355, %get3A_20, %broadcast_in_dim3A_3 : vector<16xi1>, vector<16xi32>
      %reduce_max3A_357 = arith.constant true
      %reduce_max3A_358 = vector.broadcast %reduce_max3A_357 : i1 to vector<16xi1>
      %reduce_max3A_359 = arith.constant -2147483648 : i32
      %reduce_max3A_360 = vector.broadcast %reduce_max3A_359 : i32 to vector<16xi32>
      %reduce_max3A_361 = arith.xori %select_n3A_356, %reduce_max3A_360 : vector<16xi32>
      %reduce_max3A_362 = tpu.scan <max>, %reduce_max3A_361 masked %reduce_max3A_358 : vector<16xi32>, vector<16xi1> -> vector<16xi32>
      %reduce_max3A_363 = arith.xori %reduce_max3A_362, %reduce_max3A_360 : vector<16xi32>
      %reduce_max3A_364 = vector.extract %reduce_max3A_363[15] : i32 from vector<16xi32>
      %mul3A_365 = arith.constant 16 : i32
      %mul3A_366 = arith.muli %add3A_17, %mul3A_365 : i32
      %add3A_367 = arith.constant 14 : i32
      %add3A_368 = arith.addi %mul3A_366, %add3A_367 : i32
      %dma_start3A_369 = arith.constant 0 : i32
      %dma_start3A_370 = tpu.memref_slice %arg6[%add3A_368, %dma_start3A_369] : memref<512x64xf32, #tpu.memory_space<vmem>> -> memref<1x64xf32, #tpu.memory_space<vmem>>
      %dma_start3A_371 = arith.constant 0 : i32
      %dma_start3A_372 = tpu.memref_slice %arg2[%reduce_max3A_364, %dma_start3A_371] : memref<1000000x64xf32, #tpu.memory_space<hbm>> -> memref<1x64xf32, #tpu.memory_space<hbm>>
      %dma_start3A_373 = arith.constant 0 : i32
      %dma_start3A_374 = tpu.memref_slice %arg6[%add3A_368, %dma_start3A_373] : memref<512x64xf32, #tpu.memory_space<vmem>> -> memref<1x64xf32, #tpu.memory_space<vmem>>
      %dma_start3A_375 = arith.constant 0 : i32
      %dma_start3A_376 = tpu.memref_slice %arg2[%reduce_max3A_364, %dma_start3A_375] : memref<1000000x64xf32, #tpu.memory_space<hbm>> -> memref<1x64xf32, #tpu.memory_space<hbm>>
      tpu.enqueue_dma source(%dma_start3A_376 : memref<1x64xf32, #tpu.memory_space<hbm>>) target(%dma_start3A_374 : memref<1x64xf32, #tpu.memory_space<vmem>>) target_semaphore(%arg9 : memref<!tpu.dma_semaphore, #tpu.memory_space<semaphore_mem>>)
      %eq3A_377 = arith.constant 15 : i32
      %eq3A_378 = vector.broadcast %eq3A_377 : i32 to vector<16xi32>
      %eq3A_379 = arith.cmpi eq, %iota3A, %eq3A_378 : vector<16xi32>
      %select_n3A_380 = arith.select %eq3A_379, %get3A_20, %broadcast_in_dim3A_3 : vector<16xi1>, vector<16xi32>
      %reduce_max3A_381 = arith.constant true
      %reduce_max3A_382 = vector.broadcast %reduce_max3A_381 : i1 to vector<16xi1>
      %reduce_max3A_383 = arith.constant -2147483648 : i32
      %reduce_max3A_384 = vector.broadcast %reduce_max3A_383 : i32 to vector<16xi32>
      %reduce_max3A_385 = arith.xori %select_n3A_380, %reduce_max3A_384 : vector<16xi32>
      %reduce_max3A_386 = tpu.scan <max>, %reduce_max3A_385 masked %reduce_max3A_382 : vector<16xi32>, vector<16xi1> -> vector<16xi32>
      %reduce_max3A_387 = arith.xori %reduce_max3A_386, %reduce_max3A_384 : vector<16xi32>
      %reduce_max3A_388 = vector.extract %reduce_max3A_387[15] : i32 from vector<16xi32>
      %mul3A_389 = arith.constant 16 : i32
      %mul3A_390 = arith.muli %add3A_17, %mul3A_389 : i32
      %add3A_391 = arith.constant 15 : i32
      %add3A_392 = arith.addi %mul3A_390, %add3A_391 : i32
      %dma_start3A_393 = arith.constant 0 : i32
      %dma_start3A_394 = tpu.memref_slice %arg6[%add3A_392, %dma_start3A_393] : memref<512x64xf32, #tpu.memory_space<vmem>> -> memref<1x64xf32, #tpu.memory_space<vmem>>
      %dma_start3A_395 = arith.constant 0 : i32
      %dma_start3A_396 = tpu.memref_slice %arg2[%reduce_max3A_388, %dma_start3A_395] : memref<1000000x64xf32, #tpu.memory_space<hbm>> -> memref<1x64xf32, #tpu.memory_space<hbm>>
      %dma_start3A_397 = arith.constant 0 : i32
      %dma_start3A_398 = tpu.memref_slice %arg6[%add3A_392, %dma_start3A_397] : memref<512x64xf32, #tpu.memory_space<vmem>> -> memref<1x64xf32, #tpu.memory_space<vmem>>
      %dma_start3A_399 = arith.constant 0 : i32
      %dma_start3A_400 = tpu.memref_slice %arg2[%reduce_max3A_388, %dma_start3A_399] : memref<1000000x64xf32, #tpu.memory_space<hbm>> -> memref<1x64xf32, #tpu.memory_space<hbm>>
      tpu.enqueue_dma source(%dma_start3A_400 : memref<1x64xf32, #tpu.memory_space<hbm>>) target(%dma_start3A_398 : memref<1x64xf32, #tpu.memory_space<vmem>>) target_semaphore(%arg10 : memref<!tpu.dma_semaphore, #tpu.memory_space<semaphore_mem>>)
    }
    %scan3A_7 = arith.constant 32 : i32
    %scan3A_8 = arith.constant 0 : i32
    %scan3A_9 = arith.constant 32 : i32
    %scan3A_10 = arith.addi %scan3A_8, %scan3A_9 : i32
    %scan3A_11 = arith.constant 1 : i32
    scf.for %scan3A_13 = %scan3A_8 to %scan3A_10 step %scan3A_11  : i32 {
      %mul3A_14 = arith.constant 1 : i32
      %mul3A_15 = arith.muli %scan3A_13, %mul3A_14 : i32
      %add3A_16 = arith.constant 0 : i32
      %add3A_17 = arith.addi %add3A_16, %mul3A_15 : i32
      %dma_wait3A = arith.constant 0 : i32
      %dma_wait3A_18 = arith.constant 0 : i32
      %dma_wait3A_19 = tpu.memref_slice %arg6[%dma_wait3A, %dma_wait3A_18] : memref<512x64xf32, #tpu.memory_space<vmem>> -> memref<1x64xf32, #tpu.memory_space<vmem>>
      %dma_wait3A_20 = arith.constant 0 : i32
      %dma_wait3A_21 = arith.constant 0 : i32
      %dma_wait3A_22 = tpu.memref_slice %arg2[%dma_wait3A_20, %dma_wait3A_21] : memref<1000000x64xf32, #tpu.memory_space<hbm>> -> memref<1x64xf32, #tpu.memory_space<hbm>>
      %dma_wait3A_23 = arith.constant 0 : i32
      %dma_wait3A_24 = arith.constant 0 : i32
      %dma_wait3A_25 = tpu.memref_slice %arg6[%dma_wait3A_23, %dma_wait3A_24] : memref<512x64xf32, #tpu.memory_space<vmem>> -> memref<1x64xf32, #tpu.memory_space<vmem>>
      %dma_wait3A_26 = arith.constant 0 : i32
      %dma_wait3A_27 = arith.constant 0 : i32
      %dma_wait3A_28 = tpu.memref_slice %arg2[%dma_wait3A_26, %dma_wait3A_27] : memref<1000000x64xf32, #tpu.memory_space<hbm>> -> memref<1x64xf32, #tpu.memory_space<hbm>>
      tpu.wait_dma2 semaphore(%arg7 : memref<!tpu.dma_semaphore, #tpu.memory_space<semaphore_mem>>) src(%dma_wait3A_28 : memref<1x64xf32, #tpu.memory_space<hbm>>) dst(%dma_wait3A_25 : memref<1x64xf32, #tpu.memory_space<vmem>>)
      %dma_wait3A_29 = arith.constant 0 : i32
      %dma_wait3A_30 = arith.constant 0 : i32
      %dma_wait3A_31 = tpu.memref_slice %arg6[%dma_wait3A_29, %dma_wait3A_30] : memref<512x64xf32, #tpu.memory_space<vmem>> -> memref<1x64xf32, #tpu.memory_space<vmem>>
      %dma_wait3A_32 = arith.constant 0 : i32
      %dma_wait3A_33 = arith.constant 0 : i32
      %dma_wait3A_34 = tpu.memref_slice %arg2[%dma_wait3A_32, %dma_wait3A_33] : memref<1000000x64xf32, #tpu.memory_space<hbm>> -> memref<1x64xf32, #tpu.memory_space<hbm>>
      %dma_wait3A_35 = arith.constant 0 : i32
      %dma_wait3A_36 = arith.constant 0 : i32
      %dma_wait3A_37 = tpu.memref_slice %arg6[%dma_wait3A_35, %dma_wait3A_36] : memref<512x64xf32, #tpu.memory_space<vmem>> -> memref<1x64xf32, #tpu.memory_space<vmem>>
      %dma_wait3A_38 = arith.constant 0 : i32
      %dma_wait3A_39 = arith.constant 0 : i32
      %dma_wait3A_40 = tpu.memref_slice %arg2[%dma_wait3A_38, %dma_wait3A_39] : memref<1000000x64xf32, #tpu.memory_space<hbm>> -> memref<1x64xf32, #tpu.memory_space<hbm>>
      tpu.wait_dma2 semaphore(%arg8 : memref<!tpu.dma_semaphore, #tpu.memory_space<semaphore_mem>>) src(%dma_wait3A_40 : memref<1x64xf32, #tpu.memory_space<hbm>>) dst(%dma_wait3A_37 : memref<1x64xf32, #tpu.memory_space<vmem>>)
      %dma_wait3A_41 = arith.constant 0 : i32
      %dma_wait3A_42 = arith.constant 0 : i32
      %dma_wait3A_43 = tpu.memref_slice %arg6[%dma_wait3A_41, %dma_wait3A_42] : memref<512x64xf32, #tpu.memory_space<vmem>> -> memref<1x64xf32, #tpu.memory_space<vmem>>
      %dma_wait3A_44 = arith.constant 0 : i32
      %dma_wait3A_45 = arith.constant 0 : i32
      %dma_wait3A_46 = tpu.memref_slice %arg2[%dma_wait3A_44, %dma_wait3A_45] : memref<1000000x64xf32, #tpu.memory_space<hbm>> -> memref<1x64xf32, #tpu.memory_space<hbm>>
      %dma_wait3A_47 = arith.constant 0 : i32
      %dma_wait3A_48 = arith.constant 0 : i32
      %dma_wait3A_49 = tpu.memref_slice %arg6[%dma_wait3A_47, %dma_wait3A_48] : memref<512x64xf32, #tpu.memory_space<vmem>> -> memref<1x64xf32, #tpu.memory_space<vmem>>
      %dma_wait3A_50 = arith.constant 0 : i32
      %dma_wait3A_51 = arith.constant 0 : i32
      %dma_wait3A_52 = tpu.memref_slice %arg2[%dma_wait3A_50, %dma_wait3A_51] : memref<1000000x64xf32, #tpu.memory_space<hbm>> -> memref<1x64xf32, #tpu.memory_space<hbm>>
      tpu.wait_dma2 semaphore(%arg9 : memref<!tpu.dma_semaphore, #tpu.memory_space<semaphore_mem>>) src(%dma_wait3A_52 : memref<1x64xf32, #tpu.memory_space<hbm>>) dst(%dma_wait3A_49 : memref<1x64xf32, #tpu.memory_space<vmem>>)
      %dma_wait3A_53 = arith.constant 0 : i32
      %dma_wait3A_54 = arith.constant 0 : i32
      %dma_wait3A_55 = tpu.memref_slice %arg6[%dma_wait3A_53, %dma_wait3A_54] : memref<512x64xf32, #tpu.memory_space<vmem>> -> memref<1x64xf32, #tpu.memory_space<vmem>>
      %dma_wait3A_56 = arith.constant 0 : i32
      %dma_wait3A_57 = arith.constant 0 : i32
      %dma_wait3A_58 = tpu.memref_slice %arg2[%dma_wait3A_56, %dma_wait3A_57] : memref<1000000x64xf32, #tpu.memory_space<hbm>> -> memref<1x64xf32, #tpu.memory_space<hbm>>
      %dma_wait3A_59 = arith.constant 0 : i32
      %dma_wait3A_60 = arith.constant 0 : i32
      %dma_wait3A_61 = tpu.memref_slice %arg6[%dma_wait3A_59, %dma_wait3A_60] : memref<512x64xf32, #tpu.memory_space<vmem>> -> memref<1x64xf32, #tpu.memory_space<vmem>>
      %dma_wait3A_62 = arith.constant 0 : i32
      %dma_wait3A_63 = arith.constant 0 : i32
      %dma_wait3A_64 = tpu.memref_slice %arg2[%dma_wait3A_62, %dma_wait3A_63] : memref<1000000x64xf32, #tpu.memory_space<hbm>> -> memref<1x64xf32, #tpu.memory_space<hbm>>
      tpu.wait_dma2 semaphore(%arg10 : memref<!tpu.dma_semaphore, #tpu.memory_space<semaphore_mem>>) src(%dma_wait3A_64 : memref<1x64xf32, #tpu.memory_space<hbm>>) dst(%dma_wait3A_61 : memref<1x64xf32, #tpu.memory_space<vmem>>)
      %dma_wait3A_65 = arith.constant 0 : i32
      %dma_wait3A_66 = arith.constant 0 : i32
      %dma_wait3A_67 = tpu.memref_slice %arg6[%dma_wait3A_65, %dma_wait3A_66] : memref<512x64xf32, #tpu.memory_space<vmem>> -> memref<1x64xf32, #tpu.memory_space<vmem>>
      %dma_wait3A_68 = arith.constant 0 : i32
      %dma_wait3A_69 = arith.constant 0 : i32
      %dma_wait3A_70 = tpu.memref_slice %arg2[%dma_wait3A_68, %dma_wait3A_69] : memref<1000000x64xf32, #tpu.memory_space<hbm>> -> memref<1x64xf32, #tpu.memory_space<hbm>>
      %dma_wait3A_71 = arith.constant 0 : i32
      %dma_wait3A_72 = arith.constant 0 : i32
      %dma_wait3A_73 = tpu.memref_slice %arg6[%dma_wait3A_71, %dma_wait3A_72] : memref<512x64xf32, #tpu.memory_space<vmem>> -> memref<1x64xf32, #tpu.memory_space<vmem>>
      %dma_wait3A_74 = arith.constant 0 : i32
      %dma_wait3A_75 = arith.constant 0 : i32
      %dma_wait3A_76 = tpu.memref_slice %arg2[%dma_wait3A_74, %dma_wait3A_75] : memref<1000000x64xf32, #tpu.memory_space<hbm>> -> memref<1x64xf32, #tpu.memory_space<hbm>>
      tpu.wait_dma2 semaphore(%arg7 : memref<!tpu.dma_semaphore, #tpu.memory_space<semaphore_mem>>) src(%dma_wait3A_76 : memref<1x64xf32, #tpu.memory_space<hbm>>) dst(%dma_wait3A_73 : memref<1x64xf32, #tpu.memory_space<vmem>>)
      %dma_wait3A_77 = arith.constant 0 : i32
      %dma_wait3A_78 = arith.constant 0 : i32
      %dma_wait3A_79 = tpu.memref_slice %arg6[%dma_wait3A_77, %dma_wait3A_78] : memref<512x64xf32, #tpu.memory_space<vmem>> -> memref<1x64xf32, #tpu.memory_space<vmem>>
      %dma_wait3A_80 = arith.constant 0 : i32
      %dma_wait3A_81 = arith.constant 0 : i32
      %dma_wait3A_82 = tpu.memref_slice %arg2[%dma_wait3A_80, %dma_wait3A_81] : memref<1000000x64xf32, #tpu.memory_space<hbm>> -> memref<1x64xf32, #tpu.memory_space<hbm>>
      %dma_wait3A_83 = arith.constant 0 : i32
      %dma_wait3A_84 = arith.constant 0 : i32
      %dma_wait3A_85 = tpu.memref_slice %arg6[%dma_wait3A_83, %dma_wait3A_84] : memref<512x64xf32, #tpu.memory_space<vmem>> -> memref<1x64xf32, #tpu.memory_space<vmem>>
      %dma_wait3A_86 = arith.constant 0 : i32
      %dma_wait3A_87 = arith.constant 0 : i32
      %dma_wait3A_88 = tpu.memref_slice %arg2[%dma_wait3A_86, %dma_wait3A_87] : memref<1000000x64xf32, #tpu.memory_space<hbm>> -> memref<1x64xf32, #tpu.memory_space<hbm>>
      tpu.wait_dma2 semaphore(%arg8 : memref<!tpu.dma_semaphore, #tpu.memory_space<semaphore_mem>>) src(%dma_wait3A_88 : memref<1x64xf32, #tpu.memory_space<hbm>>) dst(%dma_wait3A_85 : memref<1x64xf32, #tpu.memory_space<vmem>>)
      %dma_wait3A_89 = arith.constant 0 : i32
      %dma_wait3A_90 = arith.constant 0 : i32
      %dma_wait3A_91 = tpu.memref_slice %arg6[%dma_wait3A_89, %dma_wait3A_90] : memref<512x64xf32, #tpu.memory_space<vmem>> -> memref<1x64xf32, #tpu.memory_space<vmem>>
      %dma_wait3A_92 = arith.constant 0 : i32
      %dma_wait3A_93 = arith.constant 0 : i32
      %dma_wait3A_94 = tpu.memref_slice %arg2[%dma_wait3A_92, %dma_wait3A_93] : memref<1000000x64xf32, #tpu.memory_space<hbm>> -> memref<1x64xf32, #tpu.memory_space<hbm>>
      %dma_wait3A_95 = arith.constant 0 : i32
      %dma_wait3A_96 = arith.constant 0 : i32
      %dma_wait3A_97 = tpu.memref_slice %arg6[%dma_wait3A_95, %dma_wait3A_96] : memref<512x64xf32, #tpu.memory_space<vmem>> -> memref<1x64xf32, #tpu.memory_space<vmem>>
      %dma_wait3A_98 = arith.constant 0 : i32
      %dma_wait3A_99 = arith.constant 0 : i32
      %dma_wait3A_100 = tpu.memref_slice %arg2[%dma_wait3A_98, %dma_wait3A_99] : memref<1000000x64xf32, #tpu.memory_space<hbm>> -> memref<1x64xf32, #tpu.memory_space<hbm>>
      tpu.wait_dma2 semaphore(%arg9 : memref<!tpu.dma_semaphore, #tpu.memory_space<semaphore_mem>>) src(%dma_wait3A_100 : memref<1x64xf32, #tpu.memory_space<hbm>>) dst(%dma_wait3A_97 : memref<1x64xf32, #tpu.memory_space<vmem>>)
      %dma_wait3A_101 = arith.constant 0 : i32
      %dma_wait3A_102 = arith.constant 0 : i32
      %dma_wait3A_103 = tpu.memref_slice %arg6[%dma_wait3A_101, %dma_wait3A_102] : memref<512x64xf32, #tpu.memory_space<vmem>> -> memref<1x64xf32, #tpu.memory_space<vmem>>
      %dma_wait3A_104 = arith.constant 0 : i32
      %dma_wait3A_105 = arith.constant 0 : i32
      %dma_wait3A_106 = tpu.memref_slice %arg2[%dma_wait3A_104, %dma_wait3A_105] : memref<1000000x64xf32, #tpu.memory_space<hbm>> -> memref<1x64xf32, #tpu.memory_space<hbm>>
      %dma_wait3A_107 = arith.constant 0 : i32
      %dma_wait3A_108 = arith.constant 0 : i32
      %dma_wait3A_109 = tpu.memref_slice %arg6[%dma_wait3A_107, %dma_wait3A_108] : memref<512x64xf32, #tpu.memory_space<vmem>> -> memref<1x64xf32, #tpu.memory_space<vmem>>
      %dma_wait3A_110 = arith.constant 0 : i32
      %dma_wait3A_111 = arith.constant 0 : i32
      %dma_wait3A_112 = tpu.memref_slice %arg2[%dma_wait3A_110, %dma_wait3A_111] : memref<1000000x64xf32, #tpu.memory_space<hbm>> -> memref<1x64xf32, #tpu.memory_space<hbm>>
      tpu.wait_dma2 semaphore(%arg10 : memref<!tpu.dma_semaphore, #tpu.memory_space<semaphore_mem>>) src(%dma_wait3A_112 : memref<1x64xf32, #tpu.memory_space<hbm>>) dst(%dma_wait3A_109 : memref<1x64xf32, #tpu.memory_space<vmem>>)
      %dma_wait3A_113 = arith.constant 0 : i32
      %dma_wait3A_114 = arith.constant 0 : i32
      %dma_wait3A_115 = tpu.memref_slice %arg6[%dma_wait3A_113, %dma_wait3A_114] : memref<512x64xf32, #tpu.memory_space<vmem>> -> memref<1x64xf32, #tpu.memory_space<vmem>>
      %dma_wait3A_116 = arith.constant 0 : i32
      %dma_wait3A_117 = arith.constant 0 : i32
      %dma_wait3A_118 = tpu.memref_slice %arg2[%dma_wait3A_116, %dma_wait3A_117] : memref<1000000x64xf32, #tpu.memory_space<hbm>> -> memref<1x64xf32, #tpu.memory_space<hbm>>
      %dma_wait3A_119 = arith.constant 0 : i32
      %dma_wait3A_120 = arith.constant 0 : i32
      %dma_wait3A_121 = tpu.memref_slice %arg6[%dma_wait3A_119, %dma_wait3A_120] : memref<512x64xf32, #tpu.memory_space<vmem>> -> memref<1x64xf32, #tpu.memory_space<vmem>>
      %dma_wait3A_122 = arith.constant 0 : i32
      %dma_wait3A_123 = arith.constant 0 : i32
      %dma_wait3A_124 = tpu.memref_slice %arg2[%dma_wait3A_122, %dma_wait3A_123] : memref<1000000x64xf32, #tpu.memory_space<hbm>> -> memref<1x64xf32, #tpu.memory_space<hbm>>
      tpu.wait_dma2 semaphore(%arg7 : memref<!tpu.dma_semaphore, #tpu.memory_space<semaphore_mem>>) src(%dma_wait3A_124 : memref<1x64xf32, #tpu.memory_space<hbm>>) dst(%dma_wait3A_121 : memref<1x64xf32, #tpu.memory_space<vmem>>)
      %dma_wait3A_125 = arith.constant 0 : i32
      %dma_wait3A_126 = arith.constant 0 : i32
      %dma_wait3A_127 = tpu.memref_slice %arg6[%dma_wait3A_125, %dma_wait3A_126] : memref<512x64xf32, #tpu.memory_space<vmem>> -> memref<1x64xf32, #tpu.memory_space<vmem>>
      %dma_wait3A_128 = arith.constant 0 : i32
      %dma_wait3A_129 = arith.constant 0 : i32
      %dma_wait3A_130 = tpu.memref_slice %arg2[%dma_wait3A_128, %dma_wait3A_129] : memref<1000000x64xf32, #tpu.memory_space<hbm>> -> memref<1x64xf32, #tpu.memory_space<hbm>>
      %dma_wait3A_131 = arith.constant 0 : i32
      %dma_wait3A_132 = arith.constant 0 : i32
      %dma_wait3A_133 = tpu.memref_slice %arg6[%dma_wait3A_131, %dma_wait3A_132] : memref<512x64xf32, #tpu.memory_space<vmem>> -> memref<1x64xf32, #tpu.memory_space<vmem>>
      %dma_wait3A_134 = arith.constant 0 : i32
      %dma_wait3A_135 = arith.constant 0 : i32
      %dma_wait3A_136 = tpu.memref_slice %arg2[%dma_wait3A_134, %dma_wait3A_135] : memref<1000000x64xf32, #tpu.memory_space<hbm>> -> memref<1x64xf32, #tpu.memory_space<hbm>>
      tpu.wait_dma2 semaphore(%arg8 : memref<!tpu.dma_semaphore, #tpu.memory_space<semaphore_mem>>) src(%dma_wait3A_136 : memref<1x64xf32, #tpu.memory_space<hbm>>) dst(%dma_wait3A_133 : memref<1x64xf32, #tpu.memory_space<vmem>>)
      %dma_wait3A_137 = arith.constant 0 : i32
      %dma_wait3A_138 = arith.constant 0 : i32
      %dma_wait3A_139 = tpu.memref_slice %arg6[%dma_wait3A_137, %dma_wait3A_138] : memref<512x64xf32, #tpu.memory_space<vmem>> -> memref<1x64xf32, #tpu.memory_space<vmem>>
      %dma_wait3A_140 = arith.constant 0 : i32
      %dma_wait3A_141 = arith.constant 0 : i32
      %dma_wait3A_142 = tpu.memref_slice %arg2[%dma_wait3A_140, %dma_wait3A_141] : memref<1000000x64xf32, #tpu.memory_space<hbm>> -> memref<1x64xf32, #tpu.memory_space<hbm>>
      %dma_wait3A_143 = arith.constant 0 : i32
      %dma_wait3A_144 = arith.constant 0 : i32
      %dma_wait3A_145 = tpu.memref_slice %arg6[%dma_wait3A_143, %dma_wait3A_144] : memref<512x64xf32, #tpu.memory_space<vmem>> -> memref<1x64xf32, #tpu.memory_space<vmem>>
      %dma_wait3A_146 = arith.constant 0 : i32
      %dma_wait3A_147 = arith.constant 0 : i32
      %dma_wait3A_148 = tpu.memref_slice %arg2[%dma_wait3A_146, %dma_wait3A_147] : memref<1000000x64xf32, #tpu.memory_space<hbm>> -> memref<1x64xf32, #tpu.memory_space<hbm>>
      tpu.wait_dma2 semaphore(%arg9 : memref<!tpu.dma_semaphore, #tpu.memory_space<semaphore_mem>>) src(%dma_wait3A_148 : memref<1x64xf32, #tpu.memory_space<hbm>>) dst(%dma_wait3A_145 : memref<1x64xf32, #tpu.memory_space<vmem>>)
      %dma_wait3A_149 = arith.constant 0 : i32
      %dma_wait3A_150 = arith.constant 0 : i32
      %dma_wait3A_151 = tpu.memref_slice %arg6[%dma_wait3A_149, %dma_wait3A_150] : memref<512x64xf32, #tpu.memory_space<vmem>> -> memref<1x64xf32, #tpu.memory_space<vmem>>
      %dma_wait3A_152 = arith.constant 0 : i32
      %dma_wait3A_153 = arith.constant 0 : i32
      %dma_wait3A_154 = tpu.memref_slice %arg2[%dma_wait3A_152, %dma_wait3A_153] : memref<1000000x64xf32, #tpu.memory_space<hbm>> -> memref<1x64xf32, #tpu.memory_space<hbm>>
      %dma_wait3A_155 = arith.constant 0 : i32
      %dma_wait3A_156 = arith.constant 0 : i32
      %dma_wait3A_157 = tpu.memref_slice %arg6[%dma_wait3A_155, %dma_wait3A_156] : memref<512x64xf32, #tpu.memory_space<vmem>> -> memref<1x64xf32, #tpu.memory_space<vmem>>
      %dma_wait3A_158 = arith.constant 0 : i32
      %dma_wait3A_159 = arith.constant 0 : i32
      %dma_wait3A_160 = tpu.memref_slice %arg2[%dma_wait3A_158, %dma_wait3A_159] : memref<1000000x64xf32, #tpu.memory_space<hbm>> -> memref<1x64xf32, #tpu.memory_space<hbm>>
      tpu.wait_dma2 semaphore(%arg10 : memref<!tpu.dma_semaphore, #tpu.memory_space<semaphore_mem>>) src(%dma_wait3A_160 : memref<1x64xf32, #tpu.memory_space<hbm>>) dst(%dma_wait3A_157 : memref<1x64xf32, #tpu.memory_space<vmem>>)
      %dma_wait3A_161 = arith.constant 0 : i32
      %dma_wait3A_162 = arith.constant 0 : i32
      %dma_wait3A_163 = tpu.memref_slice %arg6[%dma_wait3A_161, %dma_wait3A_162] : memref<512x64xf32, #tpu.memory_space<vmem>> -> memref<1x64xf32, #tpu.memory_space<vmem>>
      %dma_wait3A_164 = arith.constant 0 : i32
      %dma_wait3A_165 = arith.constant 0 : i32
      %dma_wait3A_166 = tpu.memref_slice %arg2[%dma_wait3A_164, %dma_wait3A_165] : memref<1000000x64xf32, #tpu.memory_space<hbm>> -> memref<1x64xf32, #tpu.memory_space<hbm>>
      %dma_wait3A_167 = arith.constant 0 : i32
      %dma_wait3A_168 = arith.constant 0 : i32
      %dma_wait3A_169 = tpu.memref_slice %arg6[%dma_wait3A_167, %dma_wait3A_168] : memref<512x64xf32, #tpu.memory_space<vmem>> -> memref<1x64xf32, #tpu.memory_space<vmem>>
      %dma_wait3A_170 = arith.constant 0 : i32
      %dma_wait3A_171 = arith.constant 0 : i32
      %dma_wait3A_172 = tpu.memref_slice %arg2[%dma_wait3A_170, %dma_wait3A_171] : memref<1000000x64xf32, #tpu.memory_space<hbm>> -> memref<1x64xf32, #tpu.memory_space<hbm>>
      tpu.wait_dma2 semaphore(%arg7 : memref<!tpu.dma_semaphore, #tpu.memory_space<semaphore_mem>>) src(%dma_wait3A_172 : memref<1x64xf32, #tpu.memory_space<hbm>>) dst(%dma_wait3A_169 : memref<1x64xf32, #tpu.memory_space<vmem>>)
      %dma_wait3A_173 = arith.constant 0 : i32
      %dma_wait3A_174 = arith.constant 0 : i32
      %dma_wait3A_175 = tpu.memref_slice %arg6[%dma_wait3A_173, %dma_wait3A_174] : memref<512x64xf32, #tpu.memory_space<vmem>> -> memref<1x64xf32, #tpu.memory_space<vmem>>
      %dma_wait3A_176 = arith.constant 0 : i32
      %dma_wait3A_177 = arith.constant 0 : i32
      %dma_wait3A_178 = tpu.memref_slice %arg2[%dma_wait3A_176, %dma_wait3A_177] : memref<1000000x64xf32, #tpu.memory_space<hbm>> -> memref<1x64xf32, #tpu.memory_space<hbm>>
      %dma_wait3A_179 = arith.constant 0 : i32
      %dma_wait3A_180 = arith.constant 0 : i32
      %dma_wait3A_181 = tpu.memref_slice %arg6[%dma_wait3A_179, %dma_wait3A_180] : memref<512x64xf32, #tpu.memory_space<vmem>> -> memref<1x64xf32, #tpu.memory_space<vmem>>
      %dma_wait3A_182 = arith.constant 0 : i32
      %dma_wait3A_183 = arith.constant 0 : i32
      %dma_wait3A_184 = tpu.memref_slice %arg2[%dma_wait3A_182, %dma_wait3A_183] : memref<1000000x64xf32, #tpu.memory_space<hbm>> -> memref<1x64xf32, #tpu.memory_space<hbm>>
      tpu.wait_dma2 semaphore(%arg8 : memref<!tpu.dma_semaphore, #tpu.memory_space<semaphore_mem>>) src(%dma_wait3A_184 : memref<1x64xf32, #tpu.memory_space<hbm>>) dst(%dma_wait3A_181 : memref<1x64xf32, #tpu.memory_space<vmem>>)
      %dma_wait3A_185 = arith.constant 0 : i32
      %dma_wait3A_186 = arith.constant 0 : i32
      %dma_wait3A_187 = tpu.memref_slice %arg6[%dma_wait3A_185, %dma_wait3A_186] : memref<512x64xf32, #tpu.memory_space<vmem>> -> memref<1x64xf32, #tpu.memory_space<vmem>>
      %dma_wait3A_188 = arith.constant 0 : i32
      %dma_wait3A_189 = arith.constant 0 : i32
      %dma_wait3A_190 = tpu.memref_slice %arg2[%dma_wait3A_188, %dma_wait3A_189] : memref<1000000x64xf32, #tpu.memory_space<hbm>> -> memref<1x64xf32, #tpu.memory_space<hbm>>
      %dma_wait3A_191 = arith.constant 0 : i32
      %dma_wait3A_192 = arith.constant 0 : i32
      %dma_wait3A_193 = tpu.memref_slice %arg6[%dma_wait3A_191, %dma_wait3A_192] : memref<512x64xf32, #tpu.memory_space<vmem>> -> memref<1x64xf32, #tpu.memory_space<vmem>>
      %dma_wait3A_194 = arith.constant 0 : i32
      %dma_wait3A_195 = arith.constant 0 : i32
      %dma_wait3A_196 = tpu.memref_slice %arg2[%dma_wait3A_194, %dma_wait3A_195] : memref<1000000x64xf32, #tpu.memory_space<hbm>> -> memref<1x64xf32, #tpu.memory_space<hbm>>
      tpu.wait_dma2 semaphore(%arg9 : memref<!tpu.dma_semaphore, #tpu.memory_space<semaphore_mem>>) src(%dma_wait3A_196 : memref<1x64xf32, #tpu.memory_space<hbm>>) dst(%dma_wait3A_193 : memref<1x64xf32, #tpu.memory_space<vmem>>)
      %dma_wait3A_197 = arith.constant 0 : i32
      %dma_wait3A_198 = arith.constant 0 : i32
      %dma_wait3A_199 = tpu.memref_slice %arg6[%dma_wait3A_197, %dma_wait3A_198] : memref<512x64xf32, #tpu.memory_space<vmem>> -> memref<1x64xf32, #tpu.memory_space<vmem>>
      %dma_wait3A_200 = arith.constant 0 : i32
      %dma_wait3A_201 = arith.constant 0 : i32
      %dma_wait3A_202 = tpu.memref_slice %arg2[%dma_wait3A_200, %dma_wait3A_201] : memref<1000000x64xf32, #tpu.memory_space<hbm>> -> memref<1x64xf32, #tpu.memory_space<hbm>>
      %dma_wait3A_203 = arith.constant 0 : i32
      %dma_wait3A_204 = arith.constant 0 : i32
      %dma_wait3A_205 = tpu.memref_slice %arg6[%dma_wait3A_203, %dma_wait3A_204] : memref<512x64xf32, #tpu.memory_space<vmem>> -> memref<1x64xf32, #tpu.memory_space<vmem>>
      %dma_wait3A_206 = arith.constant 0 : i32
      %dma_wait3A_207 = arith.constant 0 : i32
      %dma_wait3A_208 = tpu.memref_slice %arg2[%dma_wait3A_206, %dma_wait3A_207] : memref<1000000x64xf32, #tpu.memory_space<hbm>> -> memref<1x64xf32, #tpu.memory_space<hbm>>
      tpu.wait_dma2 semaphore(%arg10 : memref<!tpu.dma_semaphore, #tpu.memory_space<semaphore_mem>>) src(%dma_wait3A_208 : memref<1x64xf32, #tpu.memory_space<hbm>>) dst(%dma_wait3A_205 : memref<1x64xf32, #tpu.memory_space<vmem>>)
    }
    %scan3A_12 = arith.constant 32 : i32
    "tpu.region"() ({
      %run_scoped3A = tpu.sem_alloc : memref<!tpu.dma_semaphore, #tpu.memory_space<semaphore_mem>>
      %dma_start3A = arith.constant 0 : i32
      %dma_start3A_13 = tpu.memref_slice %arg4[%mul3A_2, %dma_start3A] : memref<16384x64xf32, #tpu.memory_space<hbm>> -> memref<512x64xf32, #tpu.memory_space<hbm>>
      %dma_start3A_14 = arith.constant 0 : i32
      %dma_start3A_15 = tpu.memref_slice %arg4[%mul3A_2, %dma_start3A_14] : memref<16384x64xf32, #tpu.memory_space<hbm>> -> memref<512x64xf32, #tpu.memory_space<hbm>>
      tpu.enqueue_dma source(%arg6 : memref<512x64xf32, #tpu.memory_space<vmem>>) target(%dma_start3A_15 : memref<512x64xf32, #tpu.memory_space<hbm>>) target_semaphore(%run_scoped3A : memref<!tpu.dma_semaphore, #tpu.memory_space<semaphore_mem>>)
      %dma_wait3A = arith.constant 0 : i32
      %dma_wait3A_16 = tpu.memref_slice %arg4[%mul3A_2, %dma_wait3A] : memref<16384x64xf32, #tpu.memory_space<hbm>> -> memref<512x64xf32, #tpu.memory_space<hbm>>
      %dma_wait3A_17 = arith.constant 0 : i32
      %dma_wait3A_18 = tpu.memref_slice %arg4[%mul3A_2, %dma_wait3A_17] : memref<16384x64xf32, #tpu.memory_space<hbm>> -> memref<512x64xf32, #tpu.memory_space<hbm>>
      tpu.wait_dma2 semaphore(%run_scoped3A : memref<!tpu.dma_semaphore, #tpu.memory_space<semaphore_mem>>) src(%arg6 : memref<512x64xf32, #tpu.memory_space<vmem>>) dst(%dma_wait3A_18 : memref<512x64xf32, #tpu.memory_space<hbm>>)
      tpu.yield
    }) : () -> ()
    return
  }
}

</mosaic_0001>

<sc_bundles>
// kernel: kernel.3.cloned.1.call-start
scs
__scs_entry_jumppad:
0x0: {  	(pc) =	sbr.rel $0x88, $3  }
0x1: {  	(tag) =	ssettag $0x0;
	lr =	simm.s32 $0x1  }
0x2: {  	[smem:$0x3F9F] =	sst lr;
	_ =	strace $0xD0000000  }
0x3: {  	_ = 	snop  }
0x4: {  	_ = 	snop  }
0x5: {  	_ = 	snop  }
0x6: {  	_ = 	snop  }
0x7: {  	_ = 	snop  }
__scs_overlays_trampoline_lowered:
0x8: {  	[smem:$0x3FAE] =	sst s0  }
0x9: {  	[smem:$0x3FAF] =	sst s1  }
0xa: {  	[smem:$0x3FB0] =	sst s2  }
0xb: {  	[smem:$0x3FB1] =	sst s3  }
0xc: {  	[smem:$0x3FB2] =	sst s4  }
0xd: {  	[smem:$0x3FB3] =	sst s5  }
0xe: {  	[smem:$0x3FB4] =	sst s6  }
0xf: {  	[smem:$0x3FB5] =	sst s7  }
0x10: {  	[smem:$0x3FB6] =	sst s8  }
0x11: {  	[smem:$0x3FB7] =	sst s9;
	s0 =	simm.s32 @!p0 $0x0  }
0x12: {  	s1 =	sld [smem:$0x3F9D];
	s0 =	simm.s32 @p0 $0x1  }
0x13: {  	[smem:$0x3FB8] =	sst s0;
	s0 =	simm.s32 @!p1 $0x0  }
0x14: {  	s2 =	sld [smem:$0x3F9C];
	s0 =	simm.s32 @p1 $0x1  }
0x15: {  	[smem:$0x3FB9] =	sst s0;
	s0 =	simm.s32 @!p2 $0x0  }
0x16: {  	s3 =	sld [smem:$0x3FDB];
	s0 =	simm.s32 @p2 $0x1  }
0x17: {  	s4 =	simm.s32 $0x1BF5;
	[smem:$0x3FBB] =	sst s0  }
0x18: {  	s0 =	sld [smem:$0x3F9E];
	_ =	swait.ge [sflag:s4], $0x0  }
0x19: {  	s7 =	sld [smem:$0x3F9F]  }
0x1a: {  	s8 =	sadd.s32 $0xFFFFE003, lr  }
0x1b: {  	s9 =	sadd.s32 $0xFFFFFEF7, lr;
	s5 =	simm.s32 $0xFFFFFFFF;
	p2 =	slt.u32 s8, $0xFFFFF086  }
0x1c: {  	p1 =	slt.u32 s9, $0xF7A;
	s5 =	simm.s32 @!p2 $0x0  }
0x1d: {  	s5 =	simm.s32 @p1 $0x1;
	p0 =	seq.s32 s7, s2  }
0x1e: {  	s7 =	smul.u32 @!p0 $0xF7A, s2;
	p2 =	seq.s32 @!p0 s5, $0x0  }
0x1f: {  	s9 =	smul.u32 $0xF7A, s1;
	s8 =	simm.s32 @!p0 $0x1BF5;
	p2 =	por !p2, p0  }
0x20: {  	[sflag:s8] =	ssyncset.s32 @!p0 $0xFFFFF086;
	s6 =	sadd.s32 @!p0 s3, s7;
	s7 =	simm.s32 @!p0 $0x108  }
0x21: {  	s3 =	sadd.s32 s3, s9;
	s6 =	sadd.s32 @!p0 $0x88, s6;
	s7 =	simm.s32 @p2 $0x1082  }
0x22: {  	[simem:s7], [sflag:s8] =	dma.local @!p0 [hbm:s6], $0xF7A  }
0x23: {  	s9 =	sor.u32 $0xD0000000, s2;
	s6 =	simm.s32 $0x108;
	_ =	swait.ge @!p0 [sflag:s8], $0x0  }
0x24: {  	s3 =	sadd.s32 $0x88, s3;
	s6 =	simm.s32 @!p1 $0x1082;
	[sflag:s4] =	ssyncset.s32 $0xFFFFF086  }
0x25: {  	[simem:s6], [sflag:s4] =	dma.local [hbm:s3], $0xF7A  }
0x26: {  	[smem:$0x3F9F] =	sst s1;
	(tag) =	ssettag s2;
	_ =	strace s9  }
0x27: {  	s1 =	sld [smem:$0x3FAF]  }
0x28: {  	s2 =	sld [smem:$0x3FB0]  }
0x29: {  	s4 =	sld [smem:$0x3FB2]  }
0x2a: {  	p0 =	seq.s32 s5, $0x0;
	s5 =	sld [smem:$0x3FB3]  }
0x2b: {  	s6 =	sld [smem:$0x3FB4]  }
0x2c: {  	s7 =	sld [smem:$0x3FB5]  }
0x2d: {  	s3 =	simm.s32 $0x108;
	s8 =	sld [smem:$0x3FB6]  }
0x2e: {  	s3 =	simm.s32 @!p0 $0x1082;
	s9 =	sld [smem:$0x3FB7]  }
0x2f: {  	lr =	sadd.s32 s0, s3;
	s0 =	sld [smem:$0x3FAE]  }
0x30: {  	s3 =	sld [smem:$0x3FB1]  }
0x31: {  	[smem:$0x3FBA] =	sst s10  }
0x32: {  	s10 =	sld [smem:$0x3FB8];
	_ =	sdelay $0x3  }
0x33: {  	p0 =	seq.s32 s10, $0x1;
	s10 =	sld [smem:$0x3FBA];
	_ =	sdelay $0x3  }
0x34: {  	[smem:$0x3FBA] =	sst s10  }
0x35: {  	s10 =	sld [smem:$0x3FB9];
	_ =	sdelay $0x3  }
0x36: {  	p1 =	seq.s32 s10, $0x1;
	s10 =	sld [smem:$0x3FBA];
	_ =	sdelay $0x3  }
0x37: {  	[smem:$0x3FBA] =	sst s10  }
0x38: {  	s10 =	sld [smem:$0x3FBB]  }
0x39: {  	_ = 	snop;
	(pc) =	sbr.ind lr, $3  }
0x3a: {  	_ = 	snop  }
0x3b: {  	_ = 	snop  }
0x3c: {  	p2 =	seq.s32 s10, $0x1;
	s10 =	sld [smem:$0x3FBA]  }
0x3d: {  	_ =	shalt  }
0x3e: {  	_ =	shalt  }
0x3f: {  	_ =	shalt  }
0x40: {  	_ =	shalt  }
0x41: {  	_ =	shalt  }
0x42: {  	_ =	shalt  }
0x43: {  	_ =	shalt  }
0x44: {  	_ =	shalt  }
0x45: {  	_ =	shalt  }
0x46: {  	_ =	shalt  }
0x47: {  	_ =	shalt  }
0x48: {  	_ =	shalt  }
0x49: {  	_ =	shalt  }
0x4a: {  	_ =	shalt  }
0x4b: {  	_ =	shalt  }
0x4c: {  	_ =	shalt  }
0x4d: {  	_ =	shalt  }
0x4e: {  	_ =	shalt  }
0x4f: {  	_ =	shalt  }
0x50: {  	_ =	shalt  }
0x51: {  	_ =	shalt  }
0x52: {  	_ =	shalt  }
0x53: {  	_ =	shalt  }
0x54: {  	_ =	shalt  }
0x55: {  	_ =	shalt  }
0x56: {  	_ =	shalt  }
0x57: {  	_ =	shalt  }
0x58: {  	_ =	shalt  }
0x59: {  	_ =	shalt  }
0x5a: {  	_ =	shalt  }
0x5b: {  	_ =	shalt  }
0x5c: {  	_ =	shalt  }
0x5d: {  	_ =	shalt  }
0x5e: {  	_ =	shalt  }
0x5f: {  	_ =	shalt  }
0x60: {  	_ =	shalt  }
0x61: {  	_ =	shalt  }
0x62: {  	_ =	shalt  }
0x63: {  	_ =	shalt  }
0x64: {  	_ =	shalt  }
0x65: {  	_ =	shalt  }
0x66: {  	_ =	shalt  }
0x67: {  	_ =	shalt  }
0x68: {  	_ =	shalt  }
0x69: {  	_ =	shalt  }
0x6a: {  	_ =	shalt  }
0x6b: {  	_ =	shalt  }
0x6c: {  	_ =	shalt  }
0x6d: {  	_ =	shalt  }
0x6e: {  	_ =	shalt  }
0x6f: {  	_ =	shalt  }
0x70: {  	_ =	shalt  }
0x71: {  	_ =	shalt  }
0x72: {  	_ =	shalt  }
0x73: {  	_ =	shalt  }
0x74: {  	_ =	shalt  }
0x75: {  	_ =	shalt  }
0x76: {  	_ =	shalt  }
0x77: {  	_ =	shalt  }
0x78: {  	_ =	shalt  }
0x79: {  	_ =	shalt  }
0x7a: {  	_ =	shalt  }
0x7b: {  	_ =	shalt  }
0x7c: {  	_ =	shalt  }
0x7d: {  	_ =	shalt  }
0x7e: {  	_ =	shalt  }
0x7f: {  	_ =	shalt  }
0x80: {  	_ =	shalt  }
0x81: {  	_ =	shalt  }
0x82: {  	_ =	shalt  }
0x83: {  	_ =	shalt  }
0x84: {  	_ =	shalt  }
0x85: {  	_ =	shalt  }
0x86: {  	_ =	shalt  }
0x87: {  	_ =	shalt  }
.Lfunc_end0:
.L_simem_size_0:
called_computation_lowered:
.L_overlay_start_0:
0x88: {  	s2 =	sld [smem:$0x3FD9]  }
0x89: {  	s3 =	sld [smem:$0x3FFE];
	_ =	sdelay $0x1  }
0x8a: {  	s1 =	srdreg.scid  }
0x8b: {  	s0 =	sand.u32 $0x1, s1  }
0x8c: {  	s17 =	sshll.u32 s0, $0xA;
	s2 =	sadd.s32 s3, s2  }
0x8d: {  	s2 =	sadd.s32 s2, s17  }
0x8e: {  	[smem:$0x3FC6] =	sst s2  }
0x8f: {  	_ = 	snop  }
0x90: {  	s2 =	sld [smem:$0x3FC9];
	(tm) =	ssettm $0x1  }
0x91: {  	s18 =	sld [smem:$0x3FFB];
	_ =	sdelay $0x3  }
0x92: {  	_ =	strace s18  }
0x93: {  	s3 =	sld [smem:$0x3FFC];
	_ =	sdelay $0x3  }
0x94: {  	_ =	strace s3  }
0x95: {  	s3 =	sld [smem:$0x3FFD];
	_ =	sdelay $0x3  }
0x96: {  	_ =	strace s3  }
0x97: {  	_ =	strace $0x8FFFFFFF  }
0x98: {  	s19 =	sld [smem:$0x3FDB];
	_ =	sdelay $0x1  }
0x99: {  	s4 =	simm.s32 $_scs_section_size  }
0x9a: {  	s5 =	simm.s32 $_size__tile_overlayer_lowered;
	s6 =	simm.s32 $_tile_overlayer_lowered  }
0x9b: {  	s22 =	simm.s32 $0x1BFF;
	s21 =	sshll.u32 s6, $0x1;
	s3 =	sadd.s32 s4, s19  }
0x9c: {  	s7 =	simm.s32 $0x0;
	s20 =	sshll.u32 s5, $0x1;
	s5 =	sadd.s32 s21, s3  }
0x9d: {  	[timem:s7], [sflag:s22] =	dma.local [hbm:s5], s20  }
0x9e: {  	_ =	swait.ge [sflag:s22], s20  }
0x9f: {  	s4 =	ssub.s32 $0x0, s20;
	[sflag:s22] =	ssyncset.done $0x0  }
0xa0: {  	[sflag:s22] =	ssyncadd.s32 s4;
	_ =	sdelay $0x1  }
0xa1: {  	s23 =	simm.s32 $0x1B8B  }
0xa2: {  	_ =	swait.ge [sflag:s23], $0x1  }
0xa3: {  	[sflag:s23] =	ssyncset.done $0x0  }
0xa4: {  	s25 =	simm.s32 $0x1B8E;
	s24 =	sld [smem:$0x3FFE];
	[sflag:s23] =	ssyncadd.s32 $0xFFFFFFFF  }
0xa5: {  	s26 =	simm.s32 $execute0_lowered;
	[smem:$0x3FD2] =	sst s25  }
0xa6: {  	s5 =	sshll.u32 s26, $0x1;
	_ =	strace $0x80000046;
	[dreg:$0x1] =	wrdreg $0xFFFFFFFF  }
0xa7: {  	s28 =	simm.s32 $_size_execute0_lowered;
	s3 =	sadd.s32 s3, s5;
	[dreg:$0x0] =	wrdreg $0x0  }
0xa8: {  	s5 =	sshll.u32 s28, $0x1;
	[dreg:$0x2] =	wrdreg s3  }
0xa9: {  	[dreg:$0x3] =	wrdreg s5  }
0xaa: {  	[dreg:$0x4] =	wrdreg $0xC0  }
0xab: {  	_ =	task [dreg:s7], $0x5FFFF  }
0xac: {  	[dreg:$0x1] =	wrdreg $0xFFFFFFFF  }
0xad: {  	[dreg:$0x0] =	wrdreg $0x60  }
0xae: {  	[dreg:$0x2] =	wrdreg s24  }
0xaf: {  	[dreg:$0x3] =	wrdreg s2  }
0xb0: {  	[dreg:$0x4] =	wrdreg $0x9  }
0xb1: {  	_ =	task.clear_ibuf [dreg:s7], $0x5FFFF;
	_ =	strace $0x90000046  }
0xb2: {  	s29 =	simm.s32 $0x9;
	_ =	strace $0x80000048  }
0xb3: {  	_ =	swait.ge [sflag:s29], $0x1  }
0xb4: {  	[sflag:s29] =	ssyncadd.s32 $0xFFFFFFFF  }
0xb5: {  	_ =	strace $0x90000048  }
0xb6: {  	_ =	sfence  }
0xb7: {  	s30 =	sld [smem:$0x0];
	_ =	sdelay $0x2  }
0xb8: {  	s31 =	sshll.u32 s1, $0xD;
	s1 =	sshrl.u32 s1, $0x2  }
0xb9: {  	s3 =	sand.u32 $0x4000, s31;
	s1 =	sadd.s32 s1, s30  }
0xba: {  	s0 =	sor.u32 s3, s0;
	s1 =	sshll.u32 s1, $0x11  }
0xbb: {  	s0 =	sor.u32 s1, s0  }
0xbc: {  	s0 =	sadd.s32 $0x8F2B, s0  }
0xbd: {  	[sflag:s0] =	ssyncadd.remote.s32 $0x1  }
0xbe: {  	_ =	sfence.sel $0xFFFF  }
0xbf: {  	[dreg:$0x0] =	wrdreg $0xFFFFFFFF;
	(pc) =	sbr.abs _section_cstart, $3  }
0xc0: {  	[dreg:$0x1] =	wrdreg $0xFFFFFFFF  }
0xc1: {  	_ =	task.clear_ibuf [dreg:s7], $0x2FFFF;
	_ =	strace $0x9FFFFFFF  }
0xc2: {  	(tm) =	ssettm $0x7FFFFFFF  }
0xc3: {  	_ =	shalt  }
tec
execute0_lowered:
.L_overlay_start_1:
0x0: {  	(tag) =	ssettag $0x1  }
0x1: {  	s0 =	rddreg [dreg:$0x0]  }
0x2: {  	s1 =	rddreg [dreg:$0x1];
	s2 =	simm.s32 $0x0  }
0x3: {  	s3 =	srdreg.scid;
	s5 =	stileid.u32;
	s8 =	simm.s32 $0x1  }
0x4: {  	s9 =	simm.s32 $0x2;
	s10 =	simm.s32 $0x3;
	s4 =	sand.u32 $0x1, s3  }
0x5: {  	[smem:$0x7FF] =	sst s2;
	s5 =	sshll.u32 s5, $0xA;
	s6 =	sshll.u32 s4, $0x9  }
0x6: {  	vm0 =	vmmov $0x1;
	s3 =	sadd.s32 $0x400, s0;
	s4 =	ssub.s32 $0x2, s4;
	s5 =	sor.u32 s6, s5  }
0x7: {  	vm1 =	vcmask $0x308;
	vm2 =	vcmask $0x70C;
	vm3 =	vcmask $0xB10;
	s7 =	sshrl.u32 s4, $0x1;
	s6 =	sshll.u32 s5, $0x4;
	s5 =	sshrl.u32 s5, $0x3  }
0x8: {  	vm4 =	vcmask $0xF14;
	vm5 =	vcmask $0x1318;
	vm6 =	vcmask $0x171C;
	_ =	strace $0x80000047;
	s4 =	ssub.s32 s4, s7;
	s1 =	sadd.s32 s1, s5  }
0x9: {  	vm7 =	vcmask $0x1B20;
	vm8 =	vcmask $0x1F24;
	vm9 =	vcmask $0x2328;
	s0 =	sadd.s32 s6, s0;
	s31 =	smax.u32 s4, $0x1;
	[dreg:$0x3] =	wrdreg s1  }
0xa: {  	vm10 =	vcmask $0x272C;
	vm11 =	vcmask $0x2B30;
	vm12 =	vcmask $0x2F34;
	s11 =	simm.s32 $0x4;
	s0 =	sadd.s32 $0xF42800, s0;
	[dreg:$0x5] =	wrdreg s31  }
0xb: {  	vm13 =	vcmask $0x3338;
	vm14 =	vcmask $0x373C;
	vm15 =	vmmov $0x7fff;
	s13 =	simm.s32 $0x0;
	s7 =	simm.s32 $0x5;
	[dreg:$0x4] =	wrdreg s0  }
.LBB2_1:
0xc: {  	s0 =	rddreg [dreg:$0x3]  }
0xd: {  	[tilespmem:s2], [sflag:$0x5] =	stream.linear.gather [hbm4b:s0+s2], $0x200, $0x38;
	[tilespmem:$0x10200] =	vst v63  }
0xe: {  	_ =	swait.ge [sflag:s7], $0x200  }
0xf: {  	[sflag:s7] =	ssyncset.done $0x0  }
0x10: {  	[sflag:s7] =	ssyncadd.s32 $0xFFFFFE00  }
0x11: {  	v0 =	vld [tilespmem:s2+$0x0];
	_ =	sdelay $0x4  }
0x12: {  	v1 =	vsel vm3, $0x80000000, v0  }
0x13: {  	v2 =	vnsel vm0, $0x80000000, v0;
	v1 =	vxor.u32 $0x80000000, v1  }
0x14: {  	v2 =	vxor.u32 $0x80000000, v2;
	(xrf0) =	vmax.scan.msk.u32 $0xffff, v1;
	v1 =	vsel vm7, $0x80000000, v0  }
0x15: {  	(xrf0) =	vmax.scan.msk.u32 $0xffff, v2;
	v2 =	vsel vm1, $0x80000000, v0;
	v1 =	vxor.u32 $0x80000000, v1  }
0x16: {  	v2 =	vxor.u32 $0x80000000, v2;
	(xrf0) =	vmax.scan.msk.u32 $0xffff, v1;
	v1 =	vsel vm6, $0x80000000, v0  }
0x17: {  	(xrf0) =	vmax.scan.msk.u32 $0xffff, v2;
	v2 =	vsel vm2, $0x80000000, v0;
	v1 =	vxor.u32 $0x80000000, v1  }
0x18: {  	v2 =	vxor.u32 $0x80000000, v2;
	_ =	sdelay $0x1  }
0x19: {  	(xrf0) =	vmax.scan.msk.u32 $0xffff, v1;
	v1, _, _ =	vpop (xrf0)  }
0x1a: {  	(xrf0) =	vmax.scan.msk.u32 $0xffff, v2;
	v2, _, _ =	vpop (xrf0);
	(v2sf) =	vpush v1, $0xF  }
0x1b: {  	(v2sf) =	vpush v2, $0xF;
	v1, _, _ =	vpop (xrf0)  }
0x1c: {  	(v2sf) =	vpush v1, $0xF;
	_ =	sdelay $0x2  }
0x1d: {  	v1 =	vsel vm4, $0x80000000, v0  }
0x1e: {  	v2, _, _ =	vpop (xrf0);
	v1 =	vxor.u32 $0x80000000, v1  }
0x1f: {  	v3 =	vsel vm5, $0x80000000, v0;
	(v2sf) =	vpush v2, $0xF;
	v2, _, _ =	vpop (xrf0);
	(xrf0) =	vmax.scan.msk.u32 $0xffff, v1  }
0x20: {  	(v2sf) =	vpush v2, $0xF;
	v2 =	vxor.u32 $0x80000000, v3;
	v3 =	vsel vm8, $0x80000000, v0  }
0x21: {  	v1 =	vsel vm9, $0x80000000, v0;
	v3 =	vxor.u32 $0x80000000, v3;
	(xrf0) =	vmax.scan.msk.u32 $0xffff, v2  }
0x22: {  	v1 =	vxor.u32 $0x80000000, v1;
	v2 =	vsel vm10, $0x80000000, v0;
	(xrf0) =	vmax.scan.msk.u32 $0xffff, v3  }
0x23: {  	v4, _, _ =	vpop (xrf0);
	v2 =	vxor.u32 $0x80000000, v2;
	v3 =	vsel vm11, $0x80000000, v0;
	(xrf0) =	vmax.scan.msk.u32 $0xffff, v1  }
0x24: {  	(v2sf) =	vpush v4, $0xF;
	v3 =	vxor.u32 $0x80000000, v3;
	(xrf0) =	vmax.scan.msk.u32 $0xffff, v2  }
0x25: {  	(xrf0) =	vmax.scan.msk.u32 $0xffff, v3;
	v3 =	vsel vm14, $0x80000000, v0;
	v4, _, _ =	vpop (xrf0)  }
0x26: {  	v1 =	vsel vm12, $0x80000000, v0;
	(v2sf) =	vpush v4, $0xF  }
0x27: {  	v1 =	vxor.u32 $0x80000000, v1;
	s6 =	spop (v2sf)  }
0x28: {  	(xrf0) =	vmax.scan.msk.u32 $0xffff, v1;
	v1 =	vxor.u32 $0x80000000, v3;
	v3, _, _ =	vpop (xrf0);
	s4 =	spop (v2sf)  }
0x29: {  	s15 =	simm.s32 $0x2000;
	s14 =	simm.s32 $0x0;
	v2 =	vsel vm13, $0x80000000, v0;
	s5 =	spop (v2sf);
	(v2sf) =	vpush v3, $0xF  }
0x2a: {  	s20 =	simm.s32 $0x300;
	s17 =	simm.s32 $0x400;
	s1 =	simm.s32 $0x200;
	v2 =	vxor.u32 $0x80000000, v2  }
0x2b: {  	s24 =	simm.s32 $0x280;
	s18 =	simm.s32 $0x480;
	s21 =	simm.s32 $0x500;
	v0 =	vsel vm15, $0x80000000, v0;
	(xrf0) =	vmax.scan.msk.u32 $0xffff, v2  }
0x2c: {  	s26 =	simm.s32 $0x380;
	s19 =	simm.s32 $0x880;
	s16 =	simm.s32 $0x10;
	v0 =	vxor.u32 $0x80000000, v0;
	v5, _, _ =	vpop (xrf0);
	(xrf0) =	vmax.scan.msk.u32 $0xffff, v1  }
0x2d: {  	s25 =	simm.s32 $0x700;
	s23 =	simm.s32 $0x780;
	s22 =	simm.s32 $0x800;
	v6, _, _ =	vpop (xrf0);
	(xrf0) =	vmax.scan.msk.u32 $0xffff, v0;
	(v2sf) =	vpush v5, $0xF  }
0x2e: {  	s29 =	simm.s32 $0x600;
	s28 =	simm.s32 $0x680;
	v7, _, _ =	vpop (xrf0);
	s4 =	sshll.u32 s4, $0x4  }
0x2f: {  	s30 =	simm.s32 $0x580;
	s0 =	sshll.u32 s6, $0x4;
	v4, _, _ =	vpop (xrf0);
	s4 =	sand.u32 $0x1FFFFFF0, s4;
	(v2sf) =	vpush v6, $0xF  }
0x30: {  	v3, _, _ =	vpop (xrf0);
	s0 =	sand.u32 $0x1FFFFFF0, s0;
	s12 =	spop (v2sf);
	s4 =	sadd.s32 s3, s4  }
0x31: {  	v2, _, _ =	vpop (xrf0);
	[tilespmem:s1], [sflag:$0x1] =	stream.linear.gather [hbm4b:s4+s2], $0x80, $0x38;
	[tilespmem:$0x10200] =	vst v63  }
0x32: {  	v1, _, _ =	vpop (xrf0);
	s12 =	sshll.u32 s12, $0x4;
	s31 =	spop (v2sf);
	s1 =	sshll.u32 s5, $0x4  }
0x33: {  	v0, _, _ =	vpop (xrf0);
	s4 =	sand.u32 $0x1FFFFFF0, s12;
	s12 =	sshll.u32 s31, $0x4;
	s5 =	spop (v2sf);
	(v2sf) =	vpush v7, $0xF  }
.LBB2_2:
0x34: {  	s4 =	sadd.s32 s3, s4  }
0x35: {  	s5 =	sshll.u32 s5, $0x4;
	s6 =	spop (v2sf);
	(v2sf) =	vpush v4, $0xF;
	s31 =	smov.u32 s15  }
0x36: {  	[tilespmem:s24], [sflag:$0x2] =	stream.linear.gather [hbm4b:s4+s2], $0x80, $0x38;
	[tilespmem:$0x10200] =	vst v63  }
0x37: {  	s4 =	sand.u32 $0x1FFFFFF0, s5;
	s5 =	sshll.u32 s6, $0x4;
	s6 =	sand.u32 $0x1FFFFFF0, s12  }
0x38: {  	s4 =	sadd.s32 s3, s4;
	s5 =	sand.u32 $0x1FFFFFF0, s5;
	s12 =	spop (v2sf)  }
0x39: {  	[tilespmem:s20], [sflag:$0x3] =	stream.linear.gather [hbm4b:s4+s2], $0x80, $0x38;
	(v2sf) =	vpush v3, $0xF;
	[tilespmem:$0x10200] =	vst v63  }
0x3a: {  	s0 =	sadd.s32 s3, s0;
	s1 =	sand.u32 $0x1FFFFFF0, s1;
	s4 =	sshll.u32 s12, $0x4  }
0x3b: {  	[tilespmem:s26], [sflag:$0x4] =	stream.linear.gather [hbm4b:s0+s2], $0x80, $0x38;
	(v2sf) =	vpush v2, $0xF;
	[tilespmem:$0x10200] =	vst v63  }
0x3c: {  	s4 =	sand.u32 $0x1FFFFFF0, s4;
	s0 =	sadd.s32 s3, s5;
	s5 =	spop (v2sf)  }
0x3d: {  	[tilespmem:s17], [sflag:$0x1] =	stream.linear.gather [hbm4b:s0+s2], $0x80, $0x38;
	(v2sf) =	vpush v1, $0xF;
	[tilespmem:$0x10200] =	vst v63  }
0x3e: {  	s0 =	sadd.s32 s3, s4;
	s4 =	sshll.u32 s5, $0x4;
	s5 =	spop (v2sf)  }
0x3f: {  	[tilespmem:s18], [sflag:$0x2] =	stream.linear.gather [hbm4b:s0+s2], $0x80, $0x38;
	[tilespmem:$0x10200] =	vst v63  }
0x40: {  	s4 =	sand.u32 $0x1FFFFFF0, s4;
	s0 =	sadd.s32 s3, s6;
	s5 =	sshll.u32 s5, $0x4;
	(v2sf) =	vpush v0, $0xF  }
0x41: {  	[tilespmem:s21], [sflag:$0x3] =	stream.linear.gather [hbm4b:s0+s2], $0x80, $0x38;
	[tilespmem:$0x10200] =	vst v63  }
0x42: {  	s0 =	sadd.s32 s3, s1;
	s1 =	sand.u32 $0x1FFFFFF0, s5;
	s5 =	spop (v2sf)  }
0x43: {  	[tilespmem:s30], [sflag:$0x4] =	stream.linear.gather [hbm4b:s0+s2], $0x80, $0x38;
	[tilespmem:$0x10200] =	vst v63  }
0x44: {  	s0 =	sadd.s32 s3, s4;
	s4 =	sshll.u32 s5, $0x4;
	s5 =	spop (v2sf)  }
0x45: {  	[tilespmem:s29], [sflag:$0x1] =	stream.linear.gather [hbm4b:s0+s2], $0x80, $0x38;
	[tilespmem:$0x10200] =	vst v63  }
0x46: {  	s0 =	sadd.s32 s3, s1;
	s1 =	sand.u32 $0x1FFFFFF0, s4;
	s4 =	sshll.u32 s5, $0x4  }
0x47: {  	[tilespmem:s28], [sflag:$0x2] =	stream.linear.gather [hbm4b:s0+s2], $0x80, $0x38;
	[tilespmem:$0x10200] =	vst v63  }
0x48: {  	s0 =	sadd.s32 s3, s1;
	s1 =	sand.u32 $0x1FFFFFF0, s4;
	s4 =	spop (v2sf)  }
0x49: {  	[tilespmem:s25], [sflag:$0x3] =	stream.linear.gather [hbm4b:s0+s2], $0x80, $0x38;
	[tilespmem:$0x10200] =	vst v63  }
0x4a: {  	s0 =	sadd.s32 s3, s1;
	s1 =	sshll.u32 s4, $0x4;
	s4 =	spop (v2sf)  }
0x4b: {  	[tilespmem:s23], [sflag:$0x4] =	stream.linear.gather [hbm4b:s0+s2], $0x80, $0x38;
	[tilespmem:$0x10200] =	vst v63  }
0x4c: {  	s0 =	sand.u32 $0x1FFFFFF0, s1;
	s1 =	sshll.u32 s4, $0x4;
	s4 =	spop (v2sf)  }
0x4d: {  	s0 =	sadd.s32 s3, s0;
	s1 =	sand.u32 $0x1FFFFFF0, s1;
	s4 =	sshll.u32 s4, $0x4  }
0x4e: {  	[tilespmem:s22], [sflag:$0x1] =	stream.linear.gather [hbm4b:s0+s2], $0x80, $0x38;
	[tilespmem:$0x10200] =	vst v63  }
0x4f: {  	s0 =	sadd.s32 s3, s1;
	s1 =	sand.u32 $0x1FFFFFF0, s4;
	s4 =	spop (v2sf)  }
0x50: {  	[tilespmem:s19], [sflag:$0x2] =	stream.linear.gather [hbm4b:s0+s2], $0x80, $0x38;
	[tilespmem:$0x10200] =	vst v63  }
0x51: {  	s1 =	sadd.s32 s3, s1;
	s0 =	sadd.s32 $0x900, s14;
	s4 =	sshll.u32 s4, $0x4  }
0x52: {  	[tilespmem:s0], [sflag:$0x3] =	stream.linear.gather [hbm4b:s1+s2], $0x80, $0x38;
	[tilespmem:$0x10200] =	vst v63  }
0x53: {  	p0 =	sne.s32 s15, $0x3E000;
	s15 =	sadd.s32 $0x2000, s15;
	s0 =	sand.u32 $0x1FFFFFF0, s4  }
0x54: {  	s1 =	sadd.s32 $0x980, s14;
	s0 =	sadd.s32 s3, s0  }
0x55: {  	[tilespmem:s1], [sflag:$0x4] =	stream.linear.gather [hbm4b:s0+s2], $0x80, $0x38;
	[tilespmem:$0x10200] =	vst v63  }
0x56: {  	_ = 	snop  }
0x57: {  	v0 =	vld [tilespmem:s16+$0x0];
	_ =	sdelay $0x2  }
0x58: {  	s14 =	sshra.s32 s31, $0x2  }
0x59: {  	s20 =	sadd.s32 $0x300, s14  }
0x5a: {  	s17 =	sadd.s32 $0x400, s14;
	v1 =	vnsel vm0, $0x80000000, v0;
	v2 =	vsel vm3, $0x80000000, v0;
	v3 =	vsel vm14, $0x80000000, v0  }
0x5b: {  	s31 =	sadd.s32 $0x200, s14;
	s24 =	sadd.s32 $0x280, s14;
	v4 =	vsel vm6, $0x80000000, v0;
	v5 =	vsel vm13, $0x80000000, v0;
	v2 =	vxor.u32 $0x80000000, v2  }
0x5c: {  	v6 =	vsel vm7, $0x80000000, v0;
	v1 =	vxor.u32 $0x80000000, v1;
	v3 =	vxor.u32 $0x80000000, v3;
	(xrf0) =	vmax.scan.msk.u32 $0xffff, v2  }
0x5d: {  	s18 =	sadd.s32 $0x480, s14;
	v7 =	vsel vm2, $0x80000000, v0;
	v6 =	vxor.u32 $0x80000000, v6;
	v2 =	vsel vm1, $0x80000000, v0;
	(xrf0) =	vmax.scan.msk.u32 $0xffff, v1  }
0x5e: {  	v8 =	vsel vm5, $0x80000000, v0;
	v1 =	vxor.u32 $0x80000000, v2;
	v2 =	vsel vm4, $0x80000000, v0;
	(xrf0) =	vmax.scan.msk.u32 $0xffff, v6  }
0x5f: {  	v4 =	vxor.u32 $0x80000000, v4;
	v2 =	vxor.u32 $0x80000000, v2;
	v6 =	vxor.u32 $0x80000000, v8;
	(xrf0) =	vmax.scan.msk.u32 $0xffff, v1  }
0x60: {  	v8 =	vsel vm9, $0x80000000, v0;
	v1 =	vxor.u32 $0x80000000, v7;
	v7 =	vsel vm8, $0x80000000, v0;
	(xrf0) =	vmax.scan.msk.u32 $0xffff, v4  }
0x61: {  	v4 =	vxor.u32 $0x80000000, v7;
	v7 =	vxor.u32 $0x80000000, v8;
	v8 =	vsel vm10, $0x80000000, v0;
	(xrf0) =	vmax.scan.msk.u32 $0xffff, v1  }
0x62: {  	s21 =	sadd.s32 $0x500, s14;
	v11 =	vsel vm12, $0x80000000, v0;
	v1 =	vxor.u32 $0x80000000, v8;
	v8 =	vsel vm11, $0x80000000, v0;
	v10, _, _ =	vpop (xrf0);
	(xrf0) =	vmax.scan.msk.u32 $0xffff, v2  }
0x63: {  	s26 =	sadd.s32 $0x380, s14;
	v2 =	vxor.u32 $0x80000000, v8;
	v8 =	vxor.u32 $0x80000000, v11;
	v9, _, _ =	vpop (xrf0);
	(v2sf) =	vpush v10, $0xF;
	(xrf0) =	vmax.scan.msk.u32 $0xffff, v6  }
0x64: {  	v5 =	vxor.u32 $0x80000000, v5;
	v0 =	vsel vm15, $0x80000000, v0;
	(v2sf) =	vpush v9, $0xF;
	v6, _, _ =	vpop (xrf0);
	(xrf0) =	vmax.scan.msk.u32 $0xffff, v4  }
0x65: {  	v0 =	vxor.u32 $0x80000000, v0;
	v4, _, _ =	vpop (xrf0);
	(v2sf) =	vpush v6, $0xF;
	(xrf0) =	vmax.scan.msk.u32 $0xffff, v7  }
0x66: {  	(v2sf) =	vpush v4, $0xF;
	v4, _, _ =	vpop (xrf0);
	(xrf0) =	vmax.scan.msk.u32 $0xffff, v1  }
0x67: {  	v1, _, _ =	vpop (xrf0);
	(v2sf) =	vpush v4, $0xF;
	(xrf0) =	vmax.scan.msk.u32 $0xffff, v2  }
0x68: {  	(v2sf) =	vpush v1, $0xF;
	v1, _, _ =	vpop (xrf0);
	(xrf0) =	vmax.scan.msk.u32 $0xffff, v8  }
0x69: {  	v2, _, _ =	vpop (xrf0);
	(xrf0) =	vmax.scan.msk.u32 $0xffff, v5  }
0x6a: {  	(v2sf) =	vpush v1, $0xF;
	v5, _, _ =	vpop (xrf0);
	(xrf0) =	vmax.scan.msk.u32 $0xffff, v3  }
0x6b: {  	v6, _, _ =	vpop (xrf0);
	(xrf0) =	vmax.scan.msk.u32 $0xffff, v0  }
0x6c: {  	v7, _, _ =	vpop (xrf0)  }
0x6d: {  	(v2sf) =	vpush v2, $0xF;
	v4, _, _ =	vpop (xrf0)  }
0x6e: {  	v3, _, _ =	vpop (xrf0)  }
0x6f: {  	v2, _, _ =	vpop (xrf0)  }
0x70: {  	s19 =	sadd.s32 $0x880, s14;
	s16 =	sadd.s32 $0x10, s16;
	v1, _, _ =	vpop (xrf0)  }
0x71: {  	s25 =	sadd.s32 $0x700, s14;
	s23 =	sadd.s32 $0x780, s14;
	s22 =	sadd.s32 $0x800, s14;
	(v2sf) =	vpush v5, $0xF;
	v0, _, _ =	vpop (xrf0)  }
0x72: {  	s29 =	sadd.s32 $0x600, s14;
	s28 =	sadd.s32 $0x680, s14;
	s0 =	spop (v2sf)  }
0x73: {  	s1 =	spop (v2sf)  }
0x74: {  	s30 =	sadd.s32 $0x580, s14;
	s0 =	sshll.u32 s0, $0x4;
	(v2sf) =	vpush v6, $0xF;
	s1 =	sshll.u32 s1, $0x4  }
.Ltmp0:
0x75: {  	s0 =	sand.u32 $0x1FFFFFF0, s0;
	s4 =	spop (v2sf);
	(pc) =	sbr.rel @p0 .LBB2_2-.Ltmp0, $4  }
0x76: {  	s5 =	sand.u32 $0x1FFFFFF0, s1;
	s1 =	sshll.u32 s4, $0x4;
	s4 =	spop (v2sf)  }
0x77: {  	s6 =	sadd.s32 s3, s5;
	s4 =	sshll.u32 s4, $0x4;
	s5 =	spop (v2sf)  }
0x78: {  	s4 =	sand.u32 $0x1FFFFFF0, s4;
	s12 =	sshll.u32 s5, $0x4;
	s5 =	spop (v2sf);
	(v2sf) =	vpush v7, $0xF  }
0x79: {  	[tilespmem:s31], [sflag:$0x1] =	stream.linear.gather [hbm4b:s6+s2], $0x80, $0x38;
	[tilespmem:$0x10200] =	vst v63  }
0x7a: {  	s4 =	sadd.s32 s3, s4;
	s5 =	sshll.u32 s5, $0x4;
	s6 =	spop (v2sf);
	(v2sf) =	vpush v4, $0xF  }
0x7b: {  	[tilespmem:s24], [sflag:$0x2] =	stream.linear.gather [hbm4b:s4+s2], $0x80, $0x38;
	[tilespmem:$0x10200] =	vst v63  }
0x7c: {  	s0 =	sadd.s32 s3, s0;
	s1 =	sand.u32 $0x1FFFFFF0, s1;
	s15 =	sand.u32 $0x1FFFFFF0, s5  }
0x7d: {  	s16 =	sshll.u32 s6, $0x4;
	s4 =	sadd.s32 s3, s15;
	s24 =	spop (v2sf)  }
0x7e: {  	(v2sf) =	vpush v3, $0xF;
	[tilespmem:s20], [sflag:$0x3] =	stream.linear.gather [hbm4b:s4+s2], $0x80, $0x38;
	[tilespmem:$0x10200] =	vst v63  }
0x7f: {  	s6 =	sand.u32 $0x1FFFFFF0, s12;
	s5 =	sand.u32 $0x1FFFFFF0, s16;
	s31 =	sshll.u32 s24, $0x4  }
0x80: {  	(v2sf) =	vpush v2, $0xF;
	[tilespmem:s26], [sflag:$0x4] =	stream.linear.gather [hbm4b:s0+s2], $0x80, $0x38;
	[tilespmem:$0x10200] =	vst v63  }
0x81: {  	s5 =	sadd.s32 s3, s5;
	s4 =	sand.u32 $0x1FFFFFF0, s31;
	s12 =	spop (v2sf)  }
0x82: {  	[tilespmem:s17], [sflag:$0x1] =	stream.linear.gather [hbm4b:s5+s2], $0x80, $0x38;
	[tilespmem:$0x10200] =	vst v63  }
0x83: {  	s20 =	sadd.s32 s3, s1;
	s15 =	sadd.s32 s3, s4;
	(v2sf) =	vpush v1, $0xF;
	s16 =	sshll.u32 s12, $0x4  }
0x84: {  	[tilespmem:s18], [sflag:$0x2] =	stream.linear.gather [hbm4b:s15+s2], $0x80, $0x38;
	[tilespmem:$0x10200] =	vst v63  }
0x85: {  	s4 =	sand.u32 $0x1FFFFFF0, s16;
	s17 =	spop (v2sf);
	s18 =	sadd.s32 s3, s6;
	(v2sf) =	vpush v0, $0xF  }
0x86: {  	[tilespmem:s21], [sflag:$0x3] =	stream.linear.gather [hbm4b:s18+s2], $0x80, $0x38;
	[tilespmem:$0x10200] =	vst v63  }
0x87: {  	s26 =	sadd.s32 s3, s4;
	s5 =	sshll.u32 s17, $0x4;
	s24 =	spop (v2sf)  }
0x88: {  	[tilespmem:s30], [sflag:$0x4] =	stream.linear.gather [hbm4b:s20+s2], $0x80, $0x38;
	[tilespmem:$0x10200] =	vst v63  }
0x89: {  	s21 =	sand.u32 $0x1FFFFFF0, s5;
	s30 =	sshll.u32 s24, $0x4;
	s31 =	spop (v2sf)  }
0x8a: {  	[tilespmem:s29], [sflag:$0x1] =	stream.linear.gather [hbm4b:s26+s2], $0x80, $0x38;
	[tilespmem:$0x10200] =	vst v63  }
0x8b: {  	s1 =	sadd.s32 s3, s21;
	s4 =	sand.u32 $0x1FFFFFF0, s30;
	s6 =	sshll.u32 s31, $0x4  }
0x8c: {  	[tilespmem:s28], [sflag:$0x2] =	stream.linear.gather [hbm4b:s1+s2], $0x80, $0x38;
	[tilespmem:$0x10200] =	vst v63  }
0x8d: {  	s12 =	sadd.s32 s3, s4;
	s15 =	sand.u32 $0x1FFFFFF0, s6;
	s16 =	spop (v2sf)  }
0x8e: {  	[tilespmem:s25], [sflag:$0x3] =	stream.linear.gather [hbm4b:s12+s2], $0x80, $0x38;
	[tilespmem:$0x10200] =	vst v63  }
0x8f: {  	s17 =	sadd.s32 s3, s15;
	s18 =	sshll.u32 s16, $0x4;
	s20 =	spop (v2sf)  }
0x90: {  	[tilespmem:s23], [sflag:$0x4] =	stream.linear.gather [hbm4b:s17+s2], $0x80, $0x38;
	[tilespmem:$0x10200] =	vst v63  }
0x91: {  	s21 =	sand.u32 $0x1FFFFFF0, s18;
	s23 =	sshll.u32 s20, $0x4  }
0x92: {  	s0 =	sadd.s32 s3, s21;
	s24 =	spop (v2sf);
	s1 =	sand.u32 $0x1FFFFFF0, s23  }
0x93: {  	[tilespmem:s22], [sflag:$0x1] =	stream.linear.gather [hbm4b:s0+s2], $0x80, $0x38;
	[tilespmem:$0x10200] =	vst v63  }
0x94: {  	s4 =	sshll.u32 s24, $0x4;
	s25 =	sadd.s32 s3, s1;
	s28 =	spop (v2sf)  }
0x95: {  	[tilespmem:s19], [sflag:$0x2] =	stream.linear.gather [hbm4b:s25+s2], $0x80, $0x38;
	[tilespmem:$0x10200] =	vst v63  }
0x96: {  	s26 =	sand.u32 $0x1FFFFFF0, s4;
	s4 =	sshll.u32 s28, $0x4  }
0x97: {  	s29 =	sadd.s32 $0x900, s14;
	s1 =	sadd.s32 s3, s26;
	s30 =	sand.u32 $0x1FFFFFF0, s4  }
0x98: {  	[tilespmem:s29], [sflag:$0x3] =	stream.linear.gather [hbm4b:s1+s2], $0x80, $0x38;
	[tilespmem:$0x10200] =	vst v63  }
0x99: {  	s31 =	sadd.s32 $0x980, s14;
	s0 =	sadd.s32 s3, s30  }
0x9a: {  	[tilespmem:s31], [sflag:$0x4] =	stream.linear.gather [hbm4b:s0+s2], $0x80, $0x38;
	[tilespmem:$0x10200] =	vst v63  }
0x9b: {  	_ =	swait.ge [sflag:s8], $0x80  }
0x9c: {  	[sflag:s8] =	ssyncset.done $0x0  }
0x9d: {  	[sflag:s8] =	ssyncadd.s32 $0xFFFFFF80  }
0x9e: {  	_ =	swait.ge [sflag:s9], $0x80  }
0x9f: {  	[sflag:s9] =	ssyncset.done $0x0  }
0xa0: {  	[sflag:s9] =	ssyncadd.s32 $0xFFFFFF80  }
0xa1: {  	_ =	swait.ge [sflag:s10], $0x80  }
0xa2: {  	[sflag:s10] =	ssyncset.done $0x0  }
0xa3: {  	[sflag:s10] =	ssyncadd.s32 $0xFFFFFF80  }
0xa4: {  	_ =	swait.ge [sflag:s11], $0x80  }
0xa5: {  	[sflag:s11] =	ssyncset.done $0x0  }
0xa6: {  	[sflag:s11] =	ssyncadd.s32 $0xFFFFFF80  }
0xa7: {  	_ =	swait.ge [sflag:s8], $0x80  }
0xa8: {  	[sflag:s8] =	ssyncset.done $0x0  }
0xa9: {  	[sflag:s8] =	ssyncadd.s32 $0xFFFFFF80  }
0xaa: {  	_ =	swait.ge [sflag:s9], $0x80  }
0xab: {  	[sflag:s9] =	ssyncset.done $0x0  }
0xac: {  	[sflag:s9] =	ssyncadd.s32 $0xFFFFFF80  }
0xad: {  	_ =	swait.ge [sflag:s10], $0x80  }
0xae: {  	[sflag:s10] =	ssyncset.done $0x0  }
0xaf: {  	[sflag:s10] =	ssyncadd.s32 $0xFFFFFF80  }
0xb0: {  	_ =	swait.ge [sflag:s11], $0x80  }
0xb1: {  	[sflag:s11] =	ssyncset.done $0x0  }
0xb2: {  	[sflag:s11] =	ssyncadd.s32 $0xFFFFFF80  }
0xb3: {  	_ =	swait.ge [sflag:s8], $0x80  }
0xb4: {  	[sflag:s8] =	ssyncset.done $0x0  }
0xb5: {  	[sflag:s8] =	ssyncadd.s32 $0xFFFFFF80  }
0xb6: {  	_ =	swait.ge [sflag:s9], $0x80  }
0xb7: {  	[sflag:s9] =	ssyncset.done $0x0  }
0xb8: {  	[sflag:s9] =	ssyncadd.s32 $0xFFFFFF80  }
0xb9: {  	_ =	swait.ge [sflag:s10], $0x80  }
0xba: {  	[sflag:s10] =	ssyncset.done $0x0  }
0xbb: {  	[sflag:s10] =	ssyncadd.s32 $0xFFFFFF80  }
0xbc: {  	_ =	swait.ge [sflag:s11], $0x80  }
0xbd: {  	[sflag:s11] =	ssyncset.done $0x0  }
0xbe: {  	[sflag:s11] =	ssyncadd.s32 $0xFFFFFF80  }
0xbf: {  	_ =	swait.ge [sflag:s8], $0x80  }
0xc0: {  	[sflag:s8] =	ssyncset.done $0x0  }
0xc1: {  	[sflag:s8] =	ssyncadd.s32 $0xFFFFFF80  }
0xc2: {  	_ =	swait.ge [sflag:s9], $0x80  }
0xc3: {  	[sflag:s9] =	ssyncset.done $0x0  }
0xc4: {  	[sflag:s9] =	ssyncadd.s32 $0xFFFFFF80  }
0xc5: {  	_ =	swait.ge [sflag:s10], $0x80  }
0xc6: {  	[sflag:s10] =	ssyncset.done $0x0  }
0xc7: {  	[sflag:s10] =	ssyncadd.s32 $0xFFFFFF80  }
0xc8: {  	_ =	swait.ge [sflag:s11], $0x80  }
0xc9: {  	s14 =	simm.s32 $0x1F;
	[sflag:s11] =	ssyncset.done $0x0  }
.LBB2_4:
0xca: {  	p0 =	sne.s32 s14, $0x1;
	s14 =	sadd.s32 $0xFFFFFFFF, s14;
	[sflag:s11] =	ssyncadd.s32 $0xFFFFFF80  }
0xcb: {  	_ =	swait.ge [sflag:s8], $0x80  }
0xcc: {  	[sflag:s8] =	ssyncset.done $0x0  }
0xcd: {  	[sflag:s8] =	ssyncadd.s32 $0xFFFFFF80  }
0xce: {  	_ =	swait.ge [sflag:s9], $0x80  }
0xcf: {  	[sflag:s9] =	ssyncset.done $0x0  }
0xd0: {  	[sflag:s9] =	ssyncadd.s32 $0xFFFFFF80  }
0xd1: {  	_ =	swait.ge [sflag:s10], $0x80  }
0xd2: {  	[sflag:s10] =	ssyncset.done $0x0  }
0xd3: {  	[sflag:s10] =	ssyncadd.s32 $0xFFFFFF80  }
0xd4: {  	_ =	swait.ge [sflag:s11], $0x80  }
0xd5: {  	[sflag:s11] =	ssyncset.done $0x0  }
0xd6: {  	[sflag:s11] =	ssyncadd.s32 $0xFFFFFF80  }
0xd7: {  	_ =	swait.ge [sflag:s8], $0x80  }
0xd8: {  	[sflag:s8] =	ssyncset.done $0x0  }
0xd9: {  	[sflag:s8] =	ssyncadd.s32 $0xFFFFFF80  }
0xda: {  	_ =	swait.ge [sflag:s9], $0x80  }
0xdb: {  	[sflag:s9] =	ssyncset.done $0x0  }
0xdc: {  	[sflag:s9] =	ssyncadd.s32 $0xFFFFFF80  }
0xdd: {  	_ =	swait.ge [sflag:s10], $0x80  }
0xde: {  	[sflag:s10] =	ssyncset.done $0x0  }
0xdf: {  	[sflag:s10] =	ssyncadd.s32 $0xFFFFFF80  }
0xe0: {  	_ =	swait.ge [sflag:s11], $0x80  }
0xe1: {  	[sflag:s11] =	ssyncset.done $0x0  }
0xe2: {  	[sflag:s11] =	ssyncadd.s32 $0xFFFFFF80  }
0xe3: {  	_ =	swait.ge [sflag:s8], $0x80  }
0xe4: {  	[sflag:s8] =	ssyncset.done $0x0  }
0xe5: {  	[sflag:s8] =	ssyncadd.s32 $0xFFFFFF80  }
0xe6: {  	_ =	swait.ge [sflag:s9], $0x80  }
0xe7: {  	[sflag:s9] =	ssyncset.done $0x0  }
0xe8: {  	[sflag:s9] =	ssyncadd.s32 $0xFFFFFF80  }
0xe9: {  	_ =	swait.ge [sflag:s10], $0x80  }
0xea: {  	[sflag:s10] =	ssyncset.done $0x0  }
0xeb: {  	[sflag:s10] =	ssyncadd.s32 $0xFFFFFF80  }
0xec: {  	_ =	swait.ge [sflag:s11], $0x80  }
0xed: {  	[sflag:s11] =	ssyncset.done $0x0  }
0xee: {  	[sflag:s11] =	ssyncadd.s32 $0xFFFFFF80  }
0xef: {  	_ =	swait.ge [sflag:s8], $0x80  }
0xf0: {  	[sflag:s8] =	ssyncset.done $0x0  }
0xf1: {  	[sflag:s8] =	ssyncadd.s32 $0xFFFFFF80  }
0xf2: {  	_ =	swait.ge [sflag:s9], $0x80  }
0xf3: {  	[sflag:s9] =	ssyncset.done $0x0  }
0xf4: {  	[sflag:s9] =	ssyncadd.s32 $0xFFFFFF80  }
.Ltmp1:
0xf5: {  	_ =	swait.ge [sflag:s10], $0x80;
	(pc) =	sbr.rel @p0 .LBB2_4-.Ltmp1, $4  }
0xf6: {  	[sflag:s10] =	ssyncset.done $0x0  }
0xf7: {  	[sflag:s10] =	ssyncadd.s32 $0xFFFFFF80  }
0xf8: {  	_ =	swait.ge [sflag:s11], $0x80  }
0xf9: {  	[sflag:s11] =	ssyncset.done $0x0  }
0xfa: {  	[sflag:s11] =	ssyncadd.s32 $0xFFFFFF80;
	s0 =	rddreg [dreg:$0x4];
	s1 =	simm.s32 $0x200  }
0xfb: {  	[hbm4b:s0+s2] =	stream.linear.scatter [tilespmem:s1], [sflag:$0x5], $0x10000, $0x38;
	[tilespmem:$0x10200] =	vst v63  }
0xfc: {  	_ =	swait.ge [sflag:s7], $0x10000  }
0xfd: {  	s13 =	sadd.s32 $0x1, s13;
	s31 =	rddreg [dreg:$0x5]  }
0xfe: {  	p0 =	sne.s32 s13, s31  }
.Ltmp2:
0xff: {  	_ = 	snop;
	(pc) =	sbr.rel @p0 .LBB2_1-.Ltmp2, $3  }
0x100: {  	_ =	sdelay $0x1  }
0x101: {  	[sflag:s7] =	ssyncset.done $0x0  }
0x102: {  	[sflag:s7] =	ssyncadd.s32 $0xFFFF0000  }
0x103: {  	_ =	sfence.sel $0x180000  }
0x104: {  	[bflag:$0x0] =	sbarrier.arrive $0xFFFF  }
0x105: {  	_ =	strace $0x90000047  }
0x106: {  	s0 =	stileid.u32;
	[bflag:$0x2] =	sbarrier.arrive $0xFFFF  }
0x107: {  	p0 =	sne.s32 s0, $0x0;
	s0 =	rddreg [dreg:$0x2]  }
0x108: {  	s0 =	sadd.s32 @!p0 $0x100000, s0  }
0x109: {  	[sflag:s0] =	ssyncadd.tile.s32 @!p0 $0x1;
	_ =	shalt  }
.Lfunc_end2:
_tile_overlayer_lowered:
.L_overlay_start_2:
0x10a: {  	(tag) =	ssettag $0x2  }
0x10b: {  	s0 =	rddreg [dreg:$0x0];
	s2 =	stileid.u32  }
0x10c: {  	s1 =	rddreg [dreg:$0x1];
	p0 =	sne.s32 s2, $0x0  }
0x10d: {  	s3 =	rddreg [dreg:$0x2];
	[bflag:$0x3] =	sbarrier.arrive $0xFFFF;
	s2 =	simm.s32 @!p0 $0x1C05  }
0x10e: {  	[timem:s3], [sflag:s2] =	dma.local @!p0 [hbm:s0], s1  }
0x10f: {  	s0 =	simm.s32 @!p0 $0x5  }
0x110: {  	_ =	swait.ge @!p0 [sflag:s0], s1  }
0x111: {  	s1 =	ssub.s32 @!p0 $0x0, s1;
	[sflag:s0] =	ssyncset.done @!p0 $0x0  }
0x112: {  	[sflag:s0] =	ssyncadd.s32 @!p0 s1  }
0x113: {  	[bflag:$0x3] =	sbarrier.arrive $0xFFFF  }
0x114: {  	_ =	shalt  }

</sc_bundles>
